<compile_context>
chip_gen: v7x
topology: tpu7x:2x2x1
jax: 0.10.2.dev20260603
libtpu: 0.0.44.dev20260713+nightly
codegen_flags: <defaults>
</compile_context>

<pallas_src>
import functools

import jax
import jax.numpy as jnp
from jax import lax
from jax.experimental import pallas as pl
from jax.experimental.pallas import tpu as pltpu
from jax.experimental.pallas import tpu_sc as plsc

B = 32
C = 256
P = 4096
S = 64
L = 16
MINPIX = 16.0

C_SC = 128
C_TC = C - C_SC
CHUNK_C = 8
NCHUNK = C_SC // CHUNK_C
TC_BLK = 128



def _sc_body(seg_hbm, fm_hbm, out_hbm, cnt_hbm,
             ids_v, acc_v, cntf_v, cnti_v, scale_v, bufa, bufb,
             sema, semb):
    nc = 2
    wid = lax.axis_index("s") * nc + lax.axis_index("c")
    b = wid

    pltpu.sync_copy(seg_hbm.at[b], ids_v)

    zeros = jnp.zeros((L,), jnp.float32)
    ones = jnp.ones((L,), jnp.float32)

    @plsc.parallel_loop(0, (C_SC * S) // L, unroll=8)
    def _(i):
        acc_v[pl.ds(i * L, L)] = zeros

    for i in range(S // L):
        cntf_v[pl.ds(i * L, L)] = zeros

    @plsc.parallel_loop(0, P // L, unroll=4)
    def _(g):
        ids = ids_v[pl.ds(g * L, L)]
        plsc.addupdate_scatter(cntf_v, [ids], ones)

    def start(chunk, buf, sem):
        pltpu.make_async_copy(
            fm_hbm.at[b, pl.ds(C_TC + chunk * CHUNK_C, CHUNK_C), :],
            buf, sem).start()

    def wait(buf, sem):
        pltpu.make_async_copy(
            fm_hbm.at[b, pl.ds(0, CHUNK_C), :], buf, sem).wait()

    start(0, bufa, sema)

    def compute(chunk, buf):
        c0 = chunk * CHUNK_C

        @plsc.parallel_loop(0, P // L, unroll=4)
        def _(g):
            base = ids_v[pl.ds(g * L, L)] + c0 * S
            off = g * L
            for cc in range(CHUNK_C):
                vals = buf[cc, pl.ds(off, L)]
                plsc.addupdate_scatter(acc_v, [base + cc * S], vals)

    def mbody(k, _):
        start(2 * k + 1, bufb, semb)
        wait(bufa, sema)
        compute(2 * k, bufa)

        @pl.when(k < NCHUNK // 2 - 1)
        def _():
            start(2 * k + 2, bufa, sema)

        wait(bufb, semb)
        compute(2 * k + 1, bufb)
        return 0

    lax.fori_loop(0, NCHUNK // 2, mbody, 0)

    for i in range(S // L):
        cnt = cntf_v[pl.ds(i * L, L)]
        sc = jnp.where(cnt >= MINPIX, 1.0 / jnp.maximum(cnt, 1.0), 0.0)
        scale_v[pl.ds(i * L, L)] = sc
        cnti_v[pl.ds(i * L, L)] = cnt.astype(jnp.int32)

    @plsc.parallel_loop(0, C_SC, unroll=2)
    def _(c):
        for j in range(S // L):
            sv = scale_v[pl.ds(j * L, L)]
            o = c * S + j * L
            acc_v[pl.ds(o, L)] = acc_v[pl.ds(o, L)] * sv

    pltpu.sync_copy(acc_v, out_hbm.at[b])
    pltpu.sync_copy(cnti_v, cnt_hbm.at[b])


@jax.jit
def _sc_call(seg, fm):
    mesh = plsc.VectorSubcoreMesh(core_axis_name="c", subcore_axis_name="s")
    f = functools.partial(
        pl.kernel,
        mesh=mesh,
        compiler_params=pltpu.CompilerParams(needs_layout_passes=False),
        out_type=[
            jax.ShapeDtypeStruct((B, C_SC * S), jnp.float32),
            jax.ShapeDtypeStruct((B, S), jnp.int32),
        ],
        scratch_types=[
            pltpu.VMEM((P,), jnp.int32),
            pltpu.VMEM((C_SC * S,), jnp.float32),
            pltpu.VMEM((S,), jnp.float32),
            pltpu.VMEM((S,), jnp.int32),
            pltpu.VMEM((S,), jnp.float32),
            pltpu.VMEM((CHUNK_C, P), jnp.float32),
            pltpu.VMEM((CHUNK_C, P), jnp.float32),
            pltpu.SemaphoreType.DMA,
            pltpu.SemaphoreType.DMA,
        ],
    )(_sc_body)
    return f(seg, fm)



def _tc_body(seg_ref, fm_ref, out_ref):
    seg = seg_ref[0, 0, :]
    onehot = (seg[:, None] == jax.lax.broadcasted_iota(jnp.int32, (1, S), 1)
              ).astype(jnp.float32)
    counts = jnp.sum(onehot, axis=0)
    scale = jnp.where(counts >= MINPIX, 1.0 / jnp.maximum(counts, 1.0), 0.0)
    sums = jnp.dot(fm_ref[0], onehot, preferred_element_type=jnp.float32)
    out_ref[0, 0] = jnp.transpose(sums * scale[None, :])


@jax.jit
def _tc_call(seg3, fm):
    return pl.pallas_call(
        _tc_body,
        grid=(B, C_TC // TC_BLK),
        in_specs=[
            pl.BlockSpec((1, 1, P), lambda b, cb: (b, 0, 0)),
            pl.BlockSpec((1, TC_BLK, P), lambda b, cb: (b, cb, 0)),
        ],
        out_specs=pl.BlockSpec((1, 1, S, TC_BLK), lambda b, cb: (b, cb, 0, 0)),
        out_shape=jax.ShapeDtypeStruct(
            (B, C_TC // TC_BLK, S, TC_BLK), jnp.float32),
        compiler_params=pltpu.CompilerParams(
            dimension_semantics=("parallel", "arbitrary")),
    )(seg3, fm)


def kernel(segment_ids, sam_encoder_embeddings):
    fm3 = jnp.squeeze(sam_encoder_embeddings, axis=1).reshape(B, C, P)
    seg = segment_ids.reshape(B, P)
    seg3 = segment_ids.reshape(B, 1, P)

    out_sc, cnt = _sc_call(seg, fm3)
    out_tc = _tc_call(seg3, fm3)

    out_sc = out_sc.reshape(B, C_SC, S).transpose(0, 2, 1)
    out_tc = out_tc.transpose(0, 2, 1, 3).reshape(B, S, C_TC)
    out = jnp.concatenate([out_tc, out_sc], axis=2)
    valid = cnt >= int(MINPIX)
    return out, valid

# --- scband reference (transcript-rebuilt; emitter-appended) ---
"""Pipeline reference for scband-sam-encoder-embeddings-segments-encoder-14018773254277 (READ-ONLY COPY).

The authoritative reference and input builder live on the scoring server;
editing this copy changes nothing except your own understanding.
"""

import jax, jax.numpy as jnp
import numpy as np

NUM_SEGMENTS = 64
MIN_PIXELS = 16

def setup_inputs(seed: int = 0) -> dict:
    key = jax.random.key(seed)
    k1, k2 = jax.random.split(key)
    segment_ids = jax.random.randint(k1, (32, 64, 64), 0, NUM_SEGMENTS)
    sam_encoder_embeddings = jax.random.normal(k2, (32, 1, 256, 64, 64), dtype=jnp.float32)
    return {"segment_ids": segment_ids, "sam_encoder_embeddings": sam_encoder_embeddings}

def reference(segment_ids, sam_encoder_embeddings):
    # feature_map = sam_encoder_embeddings.squeeze(1) -> (num_envs, C, h, w)
    fm = jnp.squeeze(sam_encoder_embeddings, axis=1)
    B, C, h, w = fm.shape
    # pool_spatial_map_to_per_segment_embeddings: mean-pool features over each
    # segment's pixel mask (segment ids given at feature resolution), invalidating
    # segments with fewer than min_pixels pixels.
    feats = jnp.transpose(fm, (0, 2, 3, 1)).reshape(B * h * w, C)
    seg = segment_ids.reshape(B, h * w)
    offsets = jnp.arange(B, dtype=seg.dtype)[:, None] * NUM_SEGMENTS
    ids = (seg + offsets).reshape(-1)
    sums = jax.ops.segment_sum(feats, ids, num_segments=B * NUM_SEGMENTS)
    counts = jax.ops.segment_sum(jnp.ones((B * h * w,), dtype=jnp.float32), ids, num_segments=B * NUM_SEGMENTS)
    mean = sums / jnp.maximum(counts, 1.0)[:, None]
    valid = counts >= float(MIN_PIXELS)
    # segments_token_tensordict: per-segment embedding tokens + validity mask
    segments_embeddings = jnp.where(valid[:, None], mean, 0.0).reshape(B, NUM_SEGMENTS, C)
    valid_mask = valid.reshape(B, NUM_SEGMENTS)
    return segments_embeddings, valid_mask

if __name__ == "__main__":
    import jax
    _d = setup_inputs()
    print(jax.jit(kernel)(*tuple(_d.values())))

</pallas_src>

<mosaic_0001>
#map = affine_map<(d0, d1) -> (0, 0)>
#map1 = affine_map<(d0, d1) -> (0, 0, 0)>
module attributes {stable_mosaic.version = 14 : i64} {
  func.func @_sc_body(%arg0: i32, %arg1: i32, %arg2: memref<32x4096xi32, #tpu.memory_space<hbm>>, %arg3: memref<32x256x4096xf32, #tpu.memory_space<hbm>>, %arg4: memref<32x8192xf32, #tpu.memory_space<hbm>>, %arg5: memref<32x64xi32, #tpu.memory_space<hbm>>, %arg6: memref<4096xi32, #tpu.memory_space<vmem>>, %arg7: memref<8192xf32, #tpu.memory_space<vmem>>, %arg8: memref<64xf32, #tpu.memory_space<vmem>>, %arg9: memref<64xi32, #tpu.memory_space<vmem>>, %arg10: memref<64xf32, #tpu.memory_space<vmem>>, %arg11: memref<8x4096xf32, #tpu.memory_space<vmem>>, %arg12: memref<8x4096xf32, #tpu.memory_space<vmem>>, %arg13: memref<!tpu.dma_semaphore, #tpu.memory_space<semaphore_mem>>, %arg14: memref<!tpu.dma_semaphore, #tpu.memory_space<semaphore_mem>>) attributes {dimension_semantics = [#tpu.dimension_semantics<core_parallel>, #tpu.dimension_semantics<subcore_parallel>], iteration_bounds = array<i64: 2, 16>, scalar_prefetch = 0 : i64, scratch_operands = 9 : i64, tpu.core_type = #tpu.core_type<sc_vector_subcore>, window_params = [{transform_indices = #map}, {transform_indices = #map1}, {transform_indices = #map}, {transform_indices = #map}]} {
    %mul3A = arith.constant 2 : i32
    %mul3A_0 = arith.muli %arg1, %mul3A : i32
    %add3A = arith.addi %mul3A_0, %arg0 : i32
    "tpu.region"() ({
      %run_scoped3A = tpu.sem_alloc : memref<!tpu.dma_semaphore, #tpu.memory_space<semaphore_mem>>
      %dma_start3A_101 = arith.constant 0 : i32
      %dma_start3A_102 = tpu.memref_slice %arg2[%add3A, %dma_start3A_101] : memref<32x4096xi32, #tpu.memory_space<hbm>> -> memref<1x4096xi32, #tpu.memory_space<hbm>>
      %dma_start3A_103 = tpu.memref_squeeze %dma_start3A_102 : memref<1x4096xi32, #tpu.memory_space<hbm>> -> memref<4096xi32, #tpu.memory_space<hbm>>
      %dma_start3A_104 = arith.constant 0 : i32
      %dma_start3A_105 = tpu.memref_slice %arg2[%add3A, %dma_start3A_104] : memref<32x4096xi32, #tpu.memory_space<hbm>> -> memref<1x4096xi32, #tpu.memory_space<hbm>>
      %dma_start3A_106 = tpu.memref_squeeze %dma_start3A_105 : memref<1x4096xi32, #tpu.memory_space<hbm>> -> memref<4096xi32, #tpu.memory_space<hbm>>
      tpu.enqueue_dma source(%dma_start3A_106 : memref<4096xi32, #tpu.memory_space<hbm>>) target(%arg6 : memref<4096xi32, #tpu.memory_space<vmem>>) target_semaphore(%run_scoped3A : memref<!tpu.dma_semaphore, #tpu.memory_space<semaphore_mem>>)
      %dma_wait3A = arith.constant 0 : i32
      %dma_wait3A_107 = tpu.memref_slice %arg2[%add3A, %dma_wait3A] : memref<32x4096xi32, #tpu.memory_space<hbm>> -> memref<1x4096xi32, #tpu.memory_space<hbm>>
      %dma_wait3A_108 = tpu.memref_squeeze %dma_wait3A_107 : memref<1x4096xi32, #tpu.memory_space<hbm>> -> memref<4096xi32, #tpu.memory_space<hbm>>
      %dma_wait3A_109 = arith.constant 0 : i32
      %dma_wait3A_110 = tpu.memref_slice %arg2[%add3A, %dma_wait3A_109] : memref<32x4096xi32, #tpu.memory_space<hbm>> -> memref<1x4096xi32, #tpu.memory_space<hbm>>
      %dma_wait3A_111 = tpu.memref_squeeze %dma_wait3A_110 : memref<1x4096xi32, #tpu.memory_space<hbm>> -> memref<4096xi32, #tpu.memory_space<hbm>>
      tpu.wait_dma2 semaphore(%run_scoped3A : memref<!tpu.dma_semaphore, #tpu.memory_space<semaphore_mem>>) src(%dma_wait3A_111 : memref<4096xi32, #tpu.memory_space<hbm>>) dst(%arg6 : memref<4096xi32, #tpu.memory_space<vmem>>)
      tpu.yield
    }) : () -> ()
    %broadcast_in_dim3A = arith.constant 0.000000e+00 : f32
    %broadcast_in_dim3A_1 = vector.broadcast %broadcast_in_dim3A : f32 to vector<16xf32>
    %broadcast_in_dim3A_2 = arith.constant 1.000000e+00 : f32
    %broadcast_in_dim3A_3 = vector.broadcast %broadcast_in_dim3A_2 : f32 to vector<16xf32>
    %parallel_loop3A = arith.constant 0 : i32
    %parallel_loop3A_4 = arith.constant 512 : i32
    %parallel_loop3A_5 = arith.constant 1 : i32
    scf.for %parallel_loop3A_101 = %parallel_loop3A to %parallel_loop3A_4 step %parallel_loop3A_5  : i32 {
      %parallel_loop3A_102 = arith.constant 16 : i32
      %parallel_loop3A_103 = arith.muli %parallel_loop3A_101, %parallel_loop3A_102 : i32
      %parallel_loop3A_104 = arith.index_cast %parallel_loop3A_103 : i32 to index
      %parallel_loop3A_105 = tpu.vector_load %arg7[%parallel_loop3A_104] {strides = array<i32>} : memref<8192xf32, #tpu.memory_space<vmem>>, vector<16xf32>,
      tpu.vector_store %arg7[%parallel_loop3A_104], %broadcast_in_dim3A_1 {strides = array<i32>} : memref<8192xf32, #tpu.memory_space<vmem>>, vector<16xf32>,
    } {sc.loop_unroll_factor = 8 : i64, sc.parallel_access}
    %swap3A = arith.constant 0 : index
    %swap3A_6 = tpu.vector_load %arg8[%swap3A] {strides = array<i32>} : memref<64xf32, #tpu.memory_space<vmem>>, vector<16xf32>,
    tpu.vector_store %arg8[%swap3A], %broadcast_in_dim3A_1 {strides = array<i32>} : memref<64xf32, #tpu.memory_space<vmem>>, vector<16xf32>,
    %swap3A_7 = arith.constant 16 : index
    %swap3A_8 = tpu.vector_load %arg8[%swap3A_7] {strides = array<i32>} : memref<64xf32, #tpu.memory_space<vmem>>, vector<16xf32>,
    tpu.vector_store %arg8[%swap3A_7], %broadcast_in_dim3A_1 {strides = array<i32>} : memref<64xf32, #tpu.memory_space<vmem>>, vector<16xf32>,
    %swap3A_9 = arith.constant 32 : index
    %swap3A_10 = tpu.vector_load %arg8[%swap3A_9] {strides = array<i32>} : memref<64xf32, #tpu.memory_space<vmem>>, vector<16xf32>,
    tpu.vector_store %arg8[%swap3A_9], %broadcast_in_dim3A_1 {strides = array<i32>} : memref<64xf32, #tpu.memory_space<vmem>>, vector<16xf32>,
    %swap3A_11 = arith.constant 48 : index
    %swap3A_12 = tpu.vector_load %arg8[%swap3A_11] {strides = array<i32>} : memref<64xf32, #tpu.memory_space<vmem>>, vector<16xf32>,
    tpu.vector_store %arg8[%swap3A_11], %broadcast_in_dim3A_1 {strides = array<i32>} : memref<64xf32, #tpu.memory_space<vmem>>, vector<16xf32>,
    %parallel_loop3A_13 = arith.constant 0 : i32
    %parallel_loop3A_14 = arith.constant 256 : i32
    %parallel_loop3A_15 = arith.constant 1 : i32
    scf.for %parallel_loop3A_101 = %parallel_loop3A_13 to %parallel_loop3A_14 step %parallel_loop3A_15  : i32 {
      %parallel_loop3A_102 = arith.constant 16 : i32
      %parallel_loop3A_103 = arith.muli %parallel_loop3A_101, %parallel_loop3A_102 : i32
      %parallel_loop3A_104 = arith.index_cast %parallel_loop3A_103 : i32 to index
      %parallel_loop3A_105 = tpu.vector_load %arg6[%parallel_loop3A_104] {strides = array<i32>} : memref<4096xi32, #tpu.memory_space<vmem>>, vector<16xi32>,
      tpu.vector_store_idx %arg8[%parallel_loop3A_105], %broadcast_in_dim3A_3 {add = true} : memref<64xf32, #tpu.memory_space<vmem>>[vector<16xi32>], vector<16xf32>,
    } {sc.loop_unroll_factor = 4 : i64, sc.parallel_access}
    %dma_start3A = arith.constant 128 : i32
    %dma_start3A_16 = arith.constant 0 : i32
    %dma_start3A_17 = tpu.memref_slice %arg3[%add3A, %dma_start3A, %dma_start3A_16] : memref<32x256x4096xf32, #tpu.memory_space<hbm>> -> memref<1x8x4096xf32, #tpu.memory_space<hbm>>
    %dma_start3A_18 = tpu.memref_squeeze %dma_start3A_17 : memref<1x8x4096xf32, #tpu.memory_space<hbm>> -> memref<8x4096xf32, #tpu.memory_space<hbm>>
    %dma_start3A_19 = arith.constant 128 : i32
    %dma_start3A_20 = arith.constant 0 : i32
    %dma_start3A_21 = tpu.memref_slice %arg3[%add3A, %dma_start3A_19, %dma_start3A_20] : memref<32x256x4096xf32, #tpu.memory_space<hbm>> -> memref<1x8x4096xf32, #tpu.memory_space<hbm>>
    %dma_start3A_22 = tpu.memref_squeeze %dma_start3A_21 : memref<1x8x4096xf32, #tpu.memory_space<hbm>> -> memref<8x4096xf32, #tpu.memory_space<hbm>>
    tpu.enqueue_dma source(%dma_start3A_22 : memref<8x4096xf32, #tpu.memory_space<hbm>>) target(%arg11 : memref<8x4096xf32, #tpu.memory_space<vmem>>) target_semaphore(%arg13 : memref<!tpu.dma_semaphore, #tpu.memory_space<semaphore_mem>>)
    %scan3A = arith.constant 0 : i32
    %scan3A_23 = arith.constant 0 : i32
    %scan3A_24 = arith.constant 8 : i32
    %scan3A_25 = arith.addi %scan3A_23, %scan3A_24 : i32
    %scan3A_26 = arith.constant 1 : i32
    %scan3A_27 = scf.for %scan3A_101 = %scan3A_23 to %scan3A_25 step %scan3A_26 iter_args(%scan3A_102 = %scan3A) -> (i32)  : i32 {
      %mul3A_103 = arith.constant 2 : i32
      %mul3A_104 = arith.muli %mul3A_103, %scan3A_101 : i32
      %add3A_105 = arith.constant 1 : i32
      %add3A_106 = arith.addi %mul3A_104, %add3A_105 : i32
      %mul3A_107 = arith.constant 8 : i32
      %mul3A_108 = arith.muli %add3A_106, %mul3A_107 : i32
      %add3A_109 = arith.constant 128 : i32
      %add3A_110 = arith.addi %add3A_109, %mul3A_108 : i32
      %dma_start3A_111 = arith.constant 0 : i32
      %dma_start3A_112 = tpu.memref_slice %arg3[%add3A, %add3A_110, %dma_start3A_111] : memref<32x256x4096xf32, #tpu.memory_space<hbm>> -> memref<1x8x4096xf32, #tpu.memory_space<hbm>>
      %dma_start3A_113 = tpu.memref_squeeze %dma_start3A_112 : memref<1x8x4096xf32, #tpu.memory_space<hbm>> -> memref<8x4096xf32, #tpu.memory_space<hbm>>
      %dma_start3A_114 = arith.constant 0 : i32
      %dma_start3A_115 = tpu.memref_slice %arg3[%add3A, %add3A_110, %dma_start3A_114] : memref<32x256x4096xf32, #tpu.memory_space<hbm>> -> memref<1x8x4096xf32, #tpu.memory_space<hbm>>
      %dma_start3A_116 = tpu.memref_squeeze %dma_start3A_115 : memref<1x8x4096xf32, #tpu.memory_space<hbm>> -> memref<8x4096xf32, #tpu.memory_space<hbm>>
      tpu.enqueue_dma source(%dma_start3A_116 : memref<8x4096xf32, #tpu.memory_space<hbm>>) target(%arg12 : memref<8x4096xf32, #tpu.memory_space<vmem>>) target_semaphore(%arg14 : memref<!tpu.dma_semaphore, #tpu.memory_space<semaphore_mem>>)
      %dma_wait3A = arith.constant 0 : i32
      %dma_wait3A_117 = arith.constant 0 : i32
      %dma_wait3A_118 = tpu.memref_slice %arg3[%add3A, %dma_wait3A, %dma_wait3A_117] : memref<32x256x4096xf32, #tpu.memory_space<hbm>> -> memref<1x8x4096xf32, #tpu.memory_space<hbm>>
      %dma_wait3A_119 = tpu.memref_squeeze %dma_wait3A_118 : memref<1x8x4096xf32, #tpu.memory_space<hbm>> -> memref<8x4096xf32, #tpu.memory_space<hbm>>
      %dma_wait3A_120 = arith.constant 0 : i32
      %dma_wait3A_121 = arith.constant 0 : i32
      %dma_wait3A_122 = tpu.memref_slice %arg3[%add3A, %dma_wait3A_120, %dma_wait3A_121] : memref<32x256x4096xf32, #tpu.memory_space<hbm>> -> memref<1x8x4096xf32, #tpu.memory_space<hbm>>
      %dma_wait3A_123 = tpu.memref_squeeze %dma_wait3A_122 : memref<1x8x4096xf32, #tpu.memory_space<hbm>> -> memref<8x4096xf32, #tpu.memory_space<hbm>>
      tpu.wait_dma2 semaphore(%arg13 : memref<!tpu.dma_semaphore, #tpu.memory_space<semaphore_mem>>) src(%dma_wait3A_123 : memref<8x4096xf32, #tpu.memory_space<hbm>>) dst(%arg11 : memref<8x4096xf32, #tpu.memory_space<vmem>>)
      %mul3A_124 = arith.constant 2 : i32
      %mul3A_125 = arith.muli %mul3A_124, %scan3A_101 : i32
      %mul3A_126 = arith.constant 8 : i32
      %mul3A_127 = arith.muli %mul3A_125, %mul3A_126 : i32
      %parallel_loop3A_128 = arith.constant 0 : i32
      %parallel_loop3A_129 = arith.constant 256 : i32
      %parallel_loop3A_130 = arith.constant 1 : i32
      scf.for %parallel_loop3A_152 = %parallel_loop3A_128 to %parallel_loop3A_129 step %parallel_loop3A_130  : i32 {
        %parallel_loop3A_153 = arith.constant 16 : i32
        %parallel_loop3A_154 = arith.muli %parallel_loop3A_152, %parallel_loop3A_153 : i32
        %parallel_loop3A_155 = arith.index_cast %parallel_loop3A_154 : i32 to index
        %parallel_loop3A_156 = tpu.vector_load %arg6[%parallel_loop3A_155] {strides = array<i32>} : memref<4096xi32, #tpu.memory_space<vmem>>, vector<16xi32>,
        %parallel_loop3A_157 = arith.constant 64 : i32
        %parallel_loop3A_158 = arith.muli %mul3A_127, %parallel_loop3A_157 : i32
        %parallel_loop3A_159 = vector.broadcast %parallel_loop3A_158 : i32 to vector<16xi32>
        %parallel_loop3A_160 = arith.addi %parallel_loop3A_156, %parallel_loop3A_159 : vector<16xi32>
        %parallel_loop3A_161 = arith.constant 16 : i32
        %parallel_loop3A_162 = arith.muli %parallel_loop3A_152, %parallel_loop3A_161 : i32
        %parallel_loop3A_163 = arith.constant 0 : i32
        %parallel_loop3A_164 = arith.index_cast %parallel_loop3A_163 : i32 to index
        %parallel_loop3A_165 = arith.index_cast %parallel_loop3A_162 : i32 to index
        %parallel_loop3A_166 = tpu.vector_load %arg11[%parallel_loop3A_164, %parallel_loop3A_165] {strides = array<i32>} : memref<8x4096xf32, #tpu.memory_space<vmem>>, vector<16xf32>,
        %parallel_loop3A_167 = arith.constant 0 : i32
        %parallel_loop3A_168 = vector.broadcast %parallel_loop3A_167 : i32 to vector<16xi32>
        %parallel_loop3A_169 = arith.addi %parallel_loop3A_160, %parallel_loop3A_168 : vector<16xi32>
        tpu.vector_store_idx %arg7[%parallel_loop3A_169], %parallel_loop3A_166 {add = true} : memref<8192xf32, #tpu.memory_space<vmem>>[vector<16xi32>], vector<16xf32>,
        %parallel_loop3A_170 = arith.constant 1 : i32
        %parallel_loop3A_171 = arith.index_cast %parallel_loop3A_170 : i32 to index
        %parallel_loop3A_172 = arith.index_cast %parallel_loop3A_162 : i32 to index
        %parallel_loop3A_173 = tpu.vector_load %arg11[%parallel_loop3A_171, %parallel_loop3A_172] {strides = array<i32>} : memref<8x4096xf32, #tpu.memory_space<vmem>>, vector<16xf32>,
        %parallel_loop3A_174 = arith.constant 64 : i32
        %parallel_loop3A_175 = vector.broadcast %parallel_loop3A_174 : i32 to vector<16xi32>
        %parallel_loop3A_176 = arith.addi %parallel_loop3A_160, %parallel_loop3A_175 : vector<16xi32>
        tpu.vector_store_idx %arg7[%parallel_loop3A_176], %parallel_loop3A_173 {add = true} : memref<8192xf32, #tpu.memory_space<vmem>>[vector<16xi32>], vector<16xf32>,
        %parallel_loop3A_177 = arith.constant 2 : i32
        %parallel_loop3A_178 = arith.index_cast %parallel_loop3A_177 : i32 to index
        %parallel_loop3A_179 = arith.index_cast %parallel_loop3A_162 : i32 to index
        %parallel_loop3A_180 = tpu.vector_load %arg11[%parallel_loop3A_178, %parallel_loop3A_179] {strides = array<i32>} : memref<8x4096xf32, #tpu.memory_space<vmem>>, vector<16xf32>,
        %parallel_loop3A_181 = arith.constant 128 : i32
        %parallel_loop3A_182 = vector.broadcast %parallel_loop3A_181 : i32 to vector<16xi32>
        %parallel_loop3A_183 = arith.addi %parallel_loop3A_160, %parallel_loop3A_182 : vector<16xi32>
        tpu.vector_store_idx %arg7[%parallel_loop3A_183], %parallel_loop3A_180 {add = true} : memref<8192xf32, #tpu.memory_space<vmem>>[vector<16xi32>], vector<16xf32>,
        %parallel_loop3A_184 = arith.constant 3 : i32
        %parallel_loop3A_185 = arith.index_cast %parallel_loop3A_184 : i32 to index
        %parallel_loop3A_186 = arith.index_cast %parallel_loop3A_162 : i32 to index
        %parallel_loop3A_187 = tpu.vector_load %arg11[%parallel_loop3A_185, %parallel_loop3A_186] {strides = array<i32>} : memref<8x4096xf32, #tpu.memory_space<vmem>>, vector<16xf32>,
        %parallel_loop3A_188 = arith.constant 192 : i32
        %parallel_loop3A_189 = vector.broadcast %parallel_loop3A_188 : i32 to vector<16xi32>
        %parallel_loop3A_190 = arith.addi %parallel_loop3A_160, %parallel_loop3A_189 : vector<16xi32>
        tpu.vector_store_idx %arg7[%parallel_loop3A_190], %parallel_loop3A_187 {add = true} : memref<8192xf32, #tpu.memory_space<vmem>>[vector<16xi32>], vector<16xf32>,
        %parallel_loop3A_191 = arith.constant 4 : i32
        %parallel_loop3A_192 = arith.index_cast %parallel_loop3A_191 : i32 to index
        %parallel_loop3A_193 = arith.index_cast %parallel_loop3A_162 : i32 to index
        %parallel_loop3A_194 = tpu.vector_load %arg11[%parallel_loop3A_192, %parallel_loop3A_193] {strides = array<i32>} : memref<8x4096xf32, #tpu.memory_space<vmem>>, vector<16xf32>,
        %parallel_loop3A_195 = arith.constant 256 : i32
        %parallel_loop3A_196 = vector.broadcast %parallel_loop3A_195 : i32 to vector<16xi32>
        %parallel_loop3A_197 = arith.addi %parallel_loop3A_160, %parallel_loop3A_196 : vector<16xi32>
        tpu.vector_store_idx %arg7[%parallel_loop3A_197], %parallel_loop3A_194 {add = true} : memref<8192xf32, #tpu.memory_space<vmem>>[vector<16xi32>], vector<16xf32>,
        %parallel_loop3A_198 = arith.constant 5 : i32
        %parallel_loop3A_199 = arith.index_cast %parallel_loop3A_198 : i32 to index
        %parallel_loop3A_200 = arith.index_cast %parallel_loop3A_162 : i32 to index
        %parallel_loop3A_201 = tpu.vector_load %arg11[%parallel_loop3A_199, %parallel_loop3A_200] {strides = array<i32>} : memref<8x4096xf32, #tpu.memory_space<vmem>>, vector<16xf32>,
        %parallel_loop3A_202 = arith.constant 320 : i32
        %parallel_loop3A_203 = vector.broadcast %parallel_loop3A_202 : i32 to vector<16xi32>
        %parallel_loop3A_204 = arith.addi %parallel_loop3A_160, %parallel_loop3A_203 : vector<16xi32>
        tpu.vector_store_idx %arg7[%parallel_loop3A_204], %parallel_loop3A_201 {add = true} : memref<8192xf32, #tpu.memory_space<vmem>>[vector<16xi32>], vector<16xf32>,
        %parallel_loop3A_205 = arith.constant 6 : i32
        %parallel_loop3A_206 = arith.index_cast %parallel_loop3A_205 : i32 to index
        %parallel_loop3A_207 = arith.index_cast %parallel_loop3A_162 : i32 to index
        %parallel_loop3A_208 = tpu.vector_load %arg11[%parallel_loop3A_206, %parallel_loop3A_207] {strides = array<i32>} : memref<8x4096xf32, #tpu.memory_space<vmem>>, vector<16xf32>,
        %parallel_loop3A_209 = arith.constant 384 : i32
        %parallel_loop3A_210 = vector.broadcast %parallel_loop3A_209 : i32 to vector<16xi32>
        %parallel_loop3A_211 = arith.addi %parallel_loop3A_160, %parallel_loop3A_210 : vector<16xi32>
        tpu.vector_store_idx %arg7[%parallel_loop3A_211], %parallel_loop3A_208 {add = true} : memref<8192xf32, #tpu.memory_space<vmem>>[vector<16xi32>], vector<16xf32>,
        %parallel_loop3A_212 = arith.constant 7 : i32
        %parallel_loop3A_213 = arith.index_cast %parallel_loop3A_212 : i32 to index
        %parallel_loop3A_214 = arith.index_cast %parallel_loop3A_162 : i32 to index
        %parallel_loop3A_215 = tpu.vector_load %arg11[%parallel_loop3A_213, %parallel_loop3A_214] {strides = array<i32>} : memref<8x4096xf32, #tpu.memory_space<vmem>>, vector<16xf32>,
        %parallel_loop3A_216 = arith.constant 448 : i32
        %parallel_loop3A_217 = vector.broadcast %parallel_loop3A_216 : i32 to vector<16xi32>
        %parallel_loop3A_218 = arith.addi %parallel_loop3A_160, %parallel_loop3A_217 : vector<16xi32>
        tpu.vector_store_idx %arg7[%parallel_loop3A_218], %parallel_loop3A_215 {add = true} : memref<8192xf32, #tpu.memory_space<vmem>>[vector<16xi32>], vector<16xf32>,
      } {sc.loop_unroll_factor = 4 : i64, sc.parallel_access}
      %lt3A = arith.constant 7 : i32
      %lt3A_131 = arith.cmpi slt, %scan3A_101, %lt3A : i32
      %convert_element_type3A_132 = arith.extui %lt3A_131 : i1 to i32
      %cond3A = arith.constant 0 : i32
      %cond3A_133 = arith.cmpi ne, %convert_element_type3A_132, %cond3A : i32
      scf.if %cond3A_133 {
        %mul3A_152 = arith.constant 2 : i32
        %mul3A_153 = arith.muli %mul3A_152, %scan3A_101 : i32
        %add3A_154 = arith.constant 2 : i32
        %add3A_155 = arith.addi %mul3A_153, %add3A_154 : i32
        %mul3A_156 = arith.constant 8 : i32
        %mul3A_157 = arith.muli %add3A_155, %mul3A_156 : i32
        %add3A_158 = arith.constant 128 : i32
        %add3A_159 = arith.addi %add3A_158, %mul3A_157 : i32
        %dma_start3A_160 = arith.constant 0 : i32
        %dma_start3A_161 = tpu.memref_slice %arg3[%add3A, %add3A_159, %dma_start3A_160] : memref<32x256x4096xf32, #tpu.memory_space<hbm>> -> memref<1x8x4096xf32, #tpu.memory_space<hbm>>
        %dma_start3A_162 = tpu.memref_squeeze %dma_start3A_161 : memref<1x8x4096xf32, #tpu.memory_space<hbm>> -> memref<8x4096xf32, #tpu.memory_space<hbm>>
        %dma_start3A_163 = arith.constant 0 : i32
        %dma_start3A_164 = tpu.memref_slice %arg3[%add3A, %add3A_159, %dma_start3A_163] : memref<32x256x4096xf32, #tpu.memory_space<hbm>> -> memref<1x8x4096xf32, #tpu.memory_space<hbm>>
        %dma_start3A_165 = tpu.memref_squeeze %dma_start3A_164 : memref<1x8x4096xf32, #tpu.memory_space<hbm>> -> memref<8x4096xf32, #tpu.memory_space<hbm>>
        tpu.enqueue_dma source(%dma_start3A_165 : memref<8x4096xf32, #tpu.memory_space<hbm>>) target(%arg11 : memref<8x4096xf32, #tpu.memory_space<vmem>>) target_semaphore(%arg13 : memref<!tpu.dma_semaphore, #tpu.memory_space<semaphore_mem>>)
      } else {
      }
      %dma_wait3A_134 = arith.constant 0 : i32
      %dma_wait3A_135 = arith.constant 0 : i32
      %dma_wait3A_136 = tpu.memref_slice %arg3[%add3A, %dma_wait3A_134, %dma_wait3A_135] : memref<32x256x4096xf32, #tpu.memory_space<hbm>> -> memref<1x8x4096xf32, #tpu.memory_space<hbm>>
      %dma_wait3A_137 = tpu.memref_squeeze %dma_wait3A_136 : memref<1x8x4096xf32, #tpu.memory_space<hbm>> -> memref<8x4096xf32, #tpu.memory_space<hbm>>
      %dma_wait3A_138 = arith.constant 0 : i32
      %dma_wait3A_139 = arith.constant 0 : i32
      %dma_wait3A_140 = tpu.memref_slice %arg3[%add3A, %dma_wait3A_138, %dma_wait3A_139] : memref<32x256x4096xf32, #tpu.memory_space<hbm>> -> memref<1x8x4096xf32, #tpu.memory_space<hbm>>
      %dma_wait3A_141 = tpu.memref_squeeze %dma_wait3A_140 : memref<1x8x4096xf32, #tpu.memory_space<hbm>> -> memref<8x4096xf32, #tpu.memory_space<hbm>>
      tpu.wait_dma2 semaphore(%arg14 : memref<!tpu.dma_semaphore, #tpu.memory_space<semaphore_mem>>) src(%dma_wait3A_141 : memref<8x4096xf32, #tpu.memory_space<hbm>>) dst(%arg12 : memref<8x4096xf32, #tpu.memory_space<vmem>>)
      %mul3A_142 = arith.constant 2 : i32
      %mul3A_143 = arith.muli %mul3A_142, %scan3A_101 : i32
      %add3A_144 = arith.constant 1 : i32
      %add3A_145 = arith.addi %mul3A_143, %add3A_144 : i32
      %mul3A_146 = arith.constant 8 : i32
      %mul3A_147 = arith.muli %add3A_145, %mul3A_146 : i32
      %parallel_loop3A_148 = arith.constant 0 : i32
      %parallel_loop3A_149 = arith.constant 256 : i32
      %parallel_loop3A_150 = arith.constant 1 : i32
      scf.for %parallel_loop3A_152 = %parallel_loop3A_148 to %parallel_loop3A_149 step %parallel_loop3A_150  : i32 {
        %parallel_loop3A_153 = arith.constant 16 : i32
        %parallel_loop3A_154 = arith.muli %parallel_loop3A_152, %parallel_loop3A_153 : i32
        %parallel_loop3A_155 = arith.index_cast %parallel_loop3A_154 : i32 to index
        %parallel_loop3A_156 = tpu.vector_load %arg6[%parallel_loop3A_155] {strides = array<i32>} : memref<4096xi32, #tpu.memory_space<vmem>>, vector<16xi32>,
        %parallel_loop3A_157 = arith.constant 64 : i32
        %parallel_loop3A_158 = arith.muli %mul3A_147, %parallel_loop3A_157 : i32
        %parallel_loop3A_159 = vector.broadcast %parallel_loop3A_158 : i32 to vector<16xi32>
        %parallel_loop3A_160 = arith.addi %parallel_loop3A_156, %parallel_loop3A_159 : vector<16xi32>
        %parallel_loop3A_161 = arith.constant 16 : i32
        %parallel_loop3A_162 = arith.muli %parallel_loop3A_152, %parallel_loop3A_161 : i32
        %parallel_loop3A_163 = arith.constant 0 : i32
        %parallel_loop3A_164 = arith.index_cast %parallel_loop3A_163 : i32 to index
        %parallel_loop3A_165 = arith.index_cast %parallel_loop3A_162 : i32 to index
        %parallel_loop3A_166 = tpu.vector_load %arg12[%parallel_loop3A_164, %parallel_loop3A_165] {strides = array<i32>} : memref<8x4096xf32, #tpu.memory_space<vmem>>, vector<16xf32>,
        %parallel_loop3A_167 = arith.constant 0 : i32
        %parallel_loop3A_168 = vector.broadcast %parallel_loop3A_167 : i32 to vector<16xi32>
        %parallel_loop3A_169 = arith.addi %parallel_loop3A_160, %parallel_loop3A_168 : vector<16xi32>
        tpu.vector_store_idx %arg7[%parallel_loop3A_169], %parallel_loop3A_166 {add = true} : memref<8192xf32, #tpu.memory_space<vmem>>[vector<16xi32>], vector<16xf32>,
        %parallel_loop3A_170 = arith.constant 1 : i32
        %parallel_loop3A_171 = arith.index_cast %parallel_loop3A_170 : i32 to index
        %parallel_loop3A_172 = arith.index_cast %parallel_loop3A_162 : i32 to index
        %parallel_loop3A_173 = tpu.vector_load %arg12[%parallel_loop3A_171, %parallel_loop3A_172] {strides = array<i32>} : memref<8x4096xf32, #tpu.memory_space<vmem>>, vector<16xf32>,
        %parallel_loop3A_174 = arith.constant 64 : i32
        %parallel_loop3A_175 = vector.broadcast %parallel_loop3A_174 : i32 to vector<16xi32>
        %parallel_loop3A_176 = arith.addi %parallel_loop3A_160, %parallel_loop3A_175 : vector<16xi32>
        tpu.vector_store_idx %arg7[%parallel_loop3A_176], %parallel_loop3A_173 {add = true} : memref<8192xf32, #tpu.memory_space<vmem>>[vector<16xi32>], vector<16xf32>,
        %parallel_loop3A_177 = arith.constant 2 : i32
        %parallel_loop3A_178 = arith.index_cast %parallel_loop3A_177 : i32 to index
        %parallel_loop3A_179 = arith.index_cast %parallel_loop3A_162 : i32 to index
        %parallel_loop3A_180 = tpu.vector_load %arg12[%parallel_loop3A_178, %parallel_loop3A_179] {strides = array<i32>} : memref<8x4096xf32, #tpu.memory_space<vmem>>, vector<16xf32>,
        %parallel_loop3A_181 = arith.constant 128 : i32
        %parallel_loop3A_182 = vector.broadcast %parallel_loop3A_181 : i32 to vector<16xi32>
        %parallel_loop3A_183 = arith.addi %parallel_loop3A_160, %parallel_loop3A_182 : vector<16xi32>
        tpu.vector_store_idx %arg7[%parallel_loop3A_183], %parallel_loop3A_180 {add = true} : memref<8192xf32, #tpu.memory_space<vmem>>[vector<16xi32>], vector<16xf32>,
        %parallel_loop3A_184 = arith.constant 3 : i32
        %parallel_loop3A_185 = arith.index_cast %parallel_loop3A_184 : i32 to index
        %parallel_loop3A_186 = arith.index_cast %parallel_loop3A_162 : i32 to index
        %parallel_loop3A_187 = tpu.vector_load %arg12[%parallel_loop3A_185, %parallel_loop3A_186] {strides = array<i32>} : memref<8x4096xf32, #tpu.memory_space<vmem>>, vector<16xf32>,
        %parallel_loop3A_188 = arith.constant 192 : i32
        %parallel_loop3A_189 = vector.broadcast %parallel_loop3A_188 : i32 to vector<16xi32>
        %parallel_loop3A_190 = arith.addi %parallel_loop3A_160, %parallel_loop3A_189 : vector<16xi32>
        tpu.vector_store_idx %arg7[%parallel_loop3A_190], %parallel_loop3A_187 {add = true} : memref<8192xf32, #tpu.memory_space<vmem>>[vector<16xi32>], vector<16xf32>,
        %parallel_loop3A_191 = arith.constant 4 : i32
        %parallel_loop3A_192 = arith.index_cast %parallel_loop3A_191 : i32 to index
        %parallel_loop3A_193 = arith.index_cast %parallel_loop3A_162 : i32 to index
        %parallel_loop3A_194 = tpu.vector_load %arg12[%parallel_loop3A_192, %parallel_loop3A_193] {strides = array<i32>} : memref<8x4096xf32, #tpu.memory_space<vmem>>, vector<16xf32>,
        %parallel_loop3A_195 = arith.constant 256 : i32
        %parallel_loop3A_196 = vector.broadcast %parallel_loop3A_195 : i32 to vector<16xi32>
        %parallel_loop3A_197 = arith.addi %parallel_loop3A_160, %parallel_loop3A_196 : vector<16xi32>
        tpu.vector_store_idx %arg7[%parallel_loop3A_197], %parallel_loop3A_194 {add = true} : memref<8192xf32, #tpu.memory_space<vmem>>[vector<16xi32>], vector<16xf32>,
        %parallel_loop3A_198 = arith.constant 5 : i32
        %parallel_loop3A_199 = arith.index_cast %parallel_loop3A_198 : i32 to index
        %parallel_loop3A_200 = arith.index_cast %parallel_loop3A_162 : i32 to index
        %parallel_loop3A_201 = tpu.vector_load %arg12[%parallel_loop3A_199, %parallel_loop3A_200] {strides = array<i32>} : memref<8x4096xf32, #tpu.memory_space<vmem>>, vector<16xf32>,
        %parallel_loop3A_202 = arith.constant 320 : i32
        %parallel_loop3A_203 = vector.broadcast %parallel_loop3A_202 : i32 to vector<16xi32>
        %parallel_loop3A_204 = arith.addi %parallel_loop3A_160, %parallel_loop3A_203 : vector<16xi32>
        tpu.vector_store_idx %arg7[%parallel_loop3A_204], %parallel_loop3A_201 {add = true} : memref<8192xf32, #tpu.memory_space<vmem>>[vector<16xi32>], vector<16xf32>,
        %parallel_loop3A_205 = arith.constant 6 : i32
        %parallel_loop3A_206 = arith.index_cast %parallel_loop3A_205 : i32 to index
        %parallel_loop3A_207 = arith.index_cast %parallel_loop3A_162 : i32 to index
        %parallel_loop3A_208 = tpu.vector_load %arg12[%parallel_loop3A_206, %parallel_loop3A_207] {strides = array<i32>} : memref<8x4096xf32, #tpu.memory_space<vmem>>, vector<16xf32>,
        %parallel_loop3A_209 = arith.constant 384 : i32
        %parallel_loop3A_210 = vector.broadcast %parallel_loop3A_209 : i32 to vector<16xi32>
        %parallel_loop3A_211 = arith.addi %parallel_loop3A_160, %parallel_loop3A_210 : vector<16xi32>
        tpu.vector_store_idx %arg7[%parallel_loop3A_211], %parallel_loop3A_208 {add = true} : memref<8192xf32, #tpu.memory_space<vmem>>[vector<16xi32>], vector<16xf32>,
        %parallel_loop3A_212 = arith.constant 7 : i32
        %parallel_loop3A_213 = arith.index_cast %parallel_loop3A_212 : i32 to index
        %parallel_loop3A_214 = arith.index_cast %parallel_loop3A_162 : i32 to index
        %parallel_loop3A_215 = tpu.vector_load %arg12[%parallel_loop3A_213, %parallel_loop3A_214] {strides = array<i32>} : memref<8x4096xf32, #tpu.memory_space<vmem>>, vector<16xf32>,
        %parallel_loop3A_216 = arith.constant 448 : i32
        %parallel_loop3A_217 = vector.broadcast %parallel_loop3A_216 : i32 to vector<16xi32>
        %parallel_loop3A_218 = arith.addi %parallel_loop3A_160, %parallel_loop3A_217 : vector<16xi32>
        tpu.vector_store_idx %arg7[%parallel_loop3A_218], %parallel_loop3A_215 {add = true} : memref<8192xf32, #tpu.memory_space<vmem>>[vector<16xi32>], vector<16xf32>,
      } {sc.loop_unroll_factor = 4 : i64, sc.parallel_access}
      %scan3A_151 = arith.constant 0 : i32
      scf.yield %scan3A_151 : i32
    }
    %scan3A_28 = arith.constant 8 : i32
    %get3A = arith.constant 0 : index
    %get3A_29 = tpu.vector_load %arg8[%get3A] {strides = array<i32>} : memref<64xf32, #tpu.memory_space<vmem>>, vector<16xf32>,
    %ge3A = arith.constant 1.600000e+01 : f32
    %ge3A_30 = vector.broadcast %ge3A : f32 to vector<16xf32>
    %ge3A_31 = arith.cmpf oge, %get3A_29, %ge3A_30 : vector<16xf32>
    %max3A = arith.constant 1.000000e+00 : f32
    %max3A_32 = vector.broadcast %max3A : f32 to vector<16xf32>
    %max3A_33 = arith.maximumf %get3A_29, %max3A_32 : vector<16xf32>
    %div3A = arith.constant 1.000000e+00 : f32
    %div3A_34 = vector.broadcast %div3A : f32 to vector<16xf32>
    %div3A_35 = arith.divf %div3A_34, %max3A_33 : vector<16xf32>
    %jit3A = arith.constant 0.000000e+00 : f32
    %broadcast_in_dim3A_36 = vector.broadcast %jit3A : f32 to vector<16xf32>
    %select_n3A = arith.select %ge3A_31, %div3A_35, %broadcast_in_dim3A_36 : vector<16xi1>, vector<16xf32>
    %swap3A_37 = arith.constant 0 : index
    %swap3A_38 = tpu.vector_load %arg10[%swap3A_37] {strides = array<i32>} : memref<64xf32, #tpu.memory_space<vmem>>, vector<16xf32>,
    tpu.vector_store %arg10[%swap3A_37], %select_n3A {strides = array<i32>} : memref<64xf32, #tpu.memory_space<vmem>>, vector<16xf32>,
    %convert_element_type3A = arith.fptosi %get3A_29 : vector<16xf32> to vector<16xi32>
    %swap3A_39 = arith.constant 0 : index
    %swap3A_40 = tpu.vector_load %arg9[%swap3A_39] {strides = array<i32>} : memref<64xi32, #tpu.memory_space<vmem>>, vector<16xi32>,
    tpu.vector_store %arg9[%swap3A_39], %convert_element_type3A {strides = array<i32>} : memref<64xi32, #tpu.memory_space<vmem>>, vector<16xi32>,
    %get3A_41 = arith.constant 16 : index
    %get3A_42 = tpu.vector_load %arg8[%get3A_41] {strides = array<i32>} : memref<64xf32, #tpu.memory_space<vmem>>, vector<16xf32>,
    %ge3A_43 = arith.constant 1.600000e+01 : f32
    %ge3A_44 = vector.broadcast %ge3A_43 : f32 to vector<16xf32>
    %ge3A_45 = arith.cmpf oge, %get3A_42, %ge3A_44 : vector<16xf32>
    %max3A_46 = arith.constant 1.000000e+00 : f32
    %max3A_47 = vector.broadcast %max3A_46 : f32 to vector<16xf32>
    %max3A_48 = arith.maximumf %get3A_42, %max3A_47 : vector<16xf32>
    %div3A_49 = arith.constant 1.000000e+00 : f32
    %div3A_50 = vector.broadcast %div3A_49 : f32 to vector<16xf32>
    %div3A_51 = arith.divf %div3A_50, %max3A_48 : vector<16xf32>
    %jit3A_52 = arith.constant 0.000000e+00 : f32
    %broadcast_in_dim3A_53 = vector.broadcast %jit3A_52 : f32 to vector<16xf32>
    %select_n3A_54 = arith.select %ge3A_45, %div3A_51, %broadcast_in_dim3A_53 : vector<16xi1>, vector<16xf32>
    %swap3A_55 = arith.constant 16 : index
    %swap3A_56 = tpu.vector_load %arg10[%swap3A_55] {strides = array<i32>} : memref<64xf32, #tpu.memory_space<vmem>>, vector<16xf32>,
    tpu.vector_store %arg10[%swap3A_55], %select_n3A_54 {strides = array<i32>} : memref<64xf32, #tpu.memory_space<vmem>>, vector<16xf32>,
    %convert_element_type3A_57 = arith.fptosi %get3A_42 : vector<16xf32> to vector<16xi32>
    %swap3A_58 = arith.constant 16 : index
    %swap3A_59 = tpu.vector_load %arg9[%swap3A_58] {strides = array<i32>} : memref<64xi32, #tpu.memory_space<vmem>>, vector<16xi32>,
    tpu.vector_store %arg9[%swap3A_58], %convert_element_type3A_57 {strides = array<i32>} : memref<64xi32, #tpu.memory_space<vmem>>, vector<16xi32>,
    %get3A_60 = arith.constant 32 : index
    %get3A_61 = tpu.vector_load %arg8[%get3A_60] {strides = array<i32>} : memref<64xf32, #tpu.memory_space<vmem>>, vector<16xf32>,
    %ge3A_62 = arith.constant 1.600000e+01 : f32
    %ge3A_63 = vector.broadcast %ge3A_62 : f32 to vector<16xf32>
    %ge3A_64 = arith.cmpf oge, %get3A_61, %ge3A_63 : vector<16xf32>
    %max3A_65 = arith.constant 1.000000e+00 : f32
    %max3A_66 = vector.broadcast %max3A_65 : f32 to vector<16xf32>
    %max3A_67 = arith.maximumf %get3A_61, %max3A_66 : vector<16xf32>
    %div3A_68 = arith.constant 1.000000e+00 : f32
    %div3A_69 = vector.broadcast %div3A_68 : f32 to vector<16xf32>
    %div3A_70 = arith.divf %div3A_69, %max3A_67 : vector<16xf32>
    %jit3A_71 = arith.constant 0.000000e+00 : f32
    %broadcast_in_dim3A_72 = vector.broadcast %jit3A_71 : f32 to vector<16xf32>
    %select_n3A_73 = arith.select %ge3A_64, %div3A_70, %broadcast_in_dim3A_72 : vector<16xi1>, vector<16xf32>
    %swap3A_74 = arith.constant 32 : index
    %swap3A_75 = tpu.vector_load %arg10[%swap3A_74] {strides = array<i32>} : memref<64xf32, #tpu.memory_space<vmem>>, vector<16xf32>,
    tpu.vector_store %arg10[%swap3A_74], %select_n3A_73 {strides = array<i32>} : memref<64xf32, #tpu.memory_space<vmem>>, vector<16xf32>,
    %convert_element_type3A_76 = arith.fptosi %get3A_61 : vector<16xf32> to vector<16xi32>
    %swap3A_77 = arith.constant 32 : index
    %swap3A_78 = tpu.vector_load %arg9[%swap3A_77] {strides = array<i32>} : memref<64xi32, #tpu.memory_space<vmem>>, vector<16xi32>,
    tpu.vector_store %arg9[%swap3A_77], %convert_element_type3A_76 {strides = array<i32>} : memref<64xi32, #tpu.memory_space<vmem>>, vector<16xi32>,
    %get3A_79 = arith.constant 48 : index
    %get3A_80 = tpu.vector_load %arg8[%get3A_79] {strides = array<i32>} : memref<64xf32, #tpu.memory_space<vmem>>, vector<16xf32>,
    %ge3A_81 = arith.constant 1.600000e+01 : f32
    %ge3A_82 = vector.broadcast %ge3A_81 : f32 to vector<16xf32>
    %ge3A_83 = arith.cmpf oge, %get3A_80, %ge3A_82 : vector<16xf32>
    %max3A_84 = arith.constant 1.000000e+00 : f32
    %max3A_85 = vector.broadcast %max3A_84 : f32 to vector<16xf32>
    %max3A_86 = arith.maximumf %get3A_80, %max3A_85 : vector<16xf32>
    %div3A_87 = arith.constant 1.000000e+00 : f32
    %div3A_88 = vector.broadcast %div3A_87 : f32 to vector<16xf32>
    %div3A_89 = arith.divf %div3A_88, %max3A_86 : vector<16xf32>
    %jit3A_90 = arith.constant 0.000000e+00 : f32
    %broadcast_in_dim3A_91 = vector.broadcast %jit3A_90 : f32 to vector<16xf32>
    %select_n3A_92 = arith.select %ge3A_83, %div3A_89, %broadcast_in_dim3A_91 : vector<16xi1>, vector<16xf32>
    %swap3A_93 = arith.constant 48 : index
    %swap3A_94 = tpu.vector_load %arg10[%swap3A_93] {strides = array<i32>} : memref<64xf32, #tpu.memory_space<vmem>>, vector<16xf32>,
    tpu.vector_store %arg10[%swap3A_93], %select_n3A_92 {strides = array<i32>} : memref<64xf32, #tpu.memory_space<vmem>>, vector<16xf32>,
    %convert_element_type3A_95 = arith.fptosi %get3A_80 : vector<16xf32> to vector<16xi32>
    %swap3A_96 = arith.constant 48 : index
    %swap3A_97 = tpu.vector_load %arg9[%swap3A_96] {strides = array<i32>} : memref<64xi32, #tpu.memory_space<vmem>>, vector<16xi32>,
    tpu.vector_store %arg9[%swap3A_96], %convert_element_type3A_95 {strides = array<i32>} : memref<64xi32, #tpu.memory_space<vmem>>, vector<16xi32>,
    %parallel_loop3A_98 = arith.constant 0 : i32
    %parallel_loop3A_99 = arith.constant 128 : i32
    %parallel_loop3A_100 = arith.constant 1 : i32
    scf.for %parallel_loop3A_101 = %parallel_loop3A_98 to %parallel_loop3A_99 step %parallel_loop3A_100  : i32 {
      %parallel_loop3A_102 = arith.constant 0 : index
      %parallel_loop3A_103 = tpu.vector_load %arg10[%parallel_loop3A_102] {strides = array<i32>} : memref<64xf32, #tpu.memory_space<vmem>>, vector<16xf32>,
      %parallel_loop3A_104 = arith.constant 64 : i32
      %parallel_loop3A_105 = arith.muli %parallel_loop3A_101, %parallel_loop3A_104 : i32
      %parallel_loop3A_106 = arith.constant 0 : i32
      %parallel_loop3A_107 = arith.addi %parallel_loop3A_105, %parallel_loop3A_106 : i32
      %parallel_loop3A_108 = arith.index_cast %parallel_loop3A_107 : i32 to index
      %parallel_loop3A_109 = tpu.vector_load %arg7[%parallel_loop3A_108] {strides = array<i32>} : memref<8192xf32, #tpu.memory_space<vmem>>, vector<16xf32>,
      %parallel_loop3A_110 = arith.mulf %parallel_loop3A_109, %parallel_loop3A_103 : vector<16xf32>
      %parallel_loop3A_111 = arith.index_cast %parallel_loop3A_107 : i32 to index
      %parallel_loop3A_112 = tpu.vector_load %arg7[%parallel_loop3A_111] {strides = array<i32>} : memref<8192xf32, #tpu.memory_space<vmem>>, vector<16xf32>,
      tpu.vector_store %arg7[%parallel_loop3A_111], %parallel_loop3A_110 {strides = array<i32>} : memref<8192xf32, #tpu.memory_space<vmem>>, vector<16xf32>,
      %parallel_loop3A_113 = arith.constant 16 : index
      %parallel_loop3A_114 = tpu.vector_load %arg10[%parallel_loop3A_113] {strides = array<i32>} : memref<64xf32, #tpu.memory_space<vmem>>, vector<16xf32>,
      %parallel_loop3A_115 = arith.constant 64 : i32
      %parallel_loop3A_116 = arith.muli %parallel_loop3A_101, %parallel_loop3A_115 : i32
      %parallel_loop3A_117 = arith.constant 16 : i32
      %parallel_loop3A_118 = arith.addi %parallel_loop3A_116, %parallel_loop3A_117 : i32
      %parallel_loop3A_119 = arith.index_cast %parallel_loop3A_118 : i32 to index
      %parallel_loop3A_120 = tpu.vector_load %arg7[%parallel_loop3A_119] {strides = array<i32>} : memref<8192xf32, #tpu.memory_space<vmem>>, vector<16xf32>,
      %parallel_loop3A_121 = arith.mulf %parallel_loop3A_120, %parallel_loop3A_114 : vector<16xf32>
      %parallel_loop3A_122 = arith.index_cast %parallel_loop3A_118 : i32 to index
      %parallel_loop3A_123 = tpu.vector_load %arg7[%parallel_loop3A_122] {strides = array<i32>} : memref<8192xf32, #tpu.memory_space<vmem>>, vector<16xf32>,
      tpu.vector_store %arg7[%parallel_loop3A_122], %parallel_loop3A_121 {strides = array<i32>} : memref<8192xf32, #tpu.memory_space<vmem>>, vector<16xf32>,
      %parallel_loop3A_124 = arith.constant 32 : index
      %parallel_loop3A_125 = tpu.vector_load %arg10[%parallel_loop3A_124] {strides = array<i32>} : memref<64xf32, #tpu.memory_space<vmem>>, vector<16xf32>,
      %parallel_loop3A_126 = arith.constant 64 : i32
      %parallel_loop3A_127 = arith.muli %parallel_loop3A_101, %parallel_loop3A_126 : i32
      %parallel_loop3A_128 = arith.constant 32 : i32
      %parallel_loop3A_129 = arith.addi %parallel_loop3A_127, %parallel_loop3A_128 : i32
      %parallel_loop3A_130 = arith.index_cast %parallel_loop3A_129 : i32 to index
      %parallel_loop3A_131 = tpu.vector_load %arg7[%parallel_loop3A_130] {strides = array<i32>} : memref<8192xf32, #tpu.memory_space<vmem>>, vector<16xf32>,
      %parallel_loop3A_132 = arith.mulf %parallel_loop3A_131, %parallel_loop3A_125 : vector<16xf32>
      %parallel_loop3A_133 = arith.index_cast %parallel_loop3A_129 : i32 to index
      %parallel_loop3A_134 = tpu.vector_load %arg7[%parallel_loop3A_133] {strides = array<i32>} : memref<8192xf32, #tpu.memory_space<vmem>>, vector<16xf32>,
      tpu.vector_store %arg7[%parallel_loop3A_133], %parallel_loop3A_132 {strides = array<i32>} : memref<8192xf32, #tpu.memory_space<vmem>>, vector<16xf32>,
      %parallel_loop3A_135 = arith.constant 48 : index
      %parallel_loop3A_136 = tpu.vector_load %arg10[%parallel_loop3A_135] {strides = array<i32>} : memref<64xf32, #tpu.memory_space<vmem>>, vector<16xf32>,
      %parallel_loop3A_137 = arith.constant 64 : i32
      %parallel_loop3A_138 = arith.muli %parallel_loop3A_101, %parallel_loop3A_137 : i32
      %parallel_loop3A_139 = arith.constant 48 : i32
      %parallel_loop3A_140 = arith.addi %parallel_loop3A_138, %parallel_loop3A_139 : i32
      %parallel_loop3A_141 = arith.index_cast %parallel_loop3A_140 : i32 to index
      %parallel_loop3A_142 = tpu.vector_load %arg7[%parallel_loop3A_141] {strides = array<i32>} : memref<8192xf32, #tpu.memory_space<vmem>>, vector<16xf32>,
      %parallel_loop3A_143 = arith.mulf %parallel_loop3A_142, %parallel_loop3A_136 : vector<16xf32>
      %parallel_loop3A_144 = arith.index_cast %parallel_loop3A_140 : i32 to index
      %parallel_loop3A_145 = tpu.vector_load %arg7[%parallel_loop3A_144] {strides = array<i32>} : memref<8192xf32, #tpu.memory_space<vmem>>, vector<16xf32>,
      tpu.vector_store %arg7[%parallel_loop3A_144], %parallel_loop3A_143 {strides = array<i32>} : memref<8192xf32, #tpu.memory_space<vmem>>, vector<16xf32>,
    } {sc.loop_unroll_factor = 2 : i64, sc.parallel_access}
    "tpu.region"() ({
      %run_scoped3A = tpu.sem_alloc : memref<!tpu.dma_semaphore, #tpu.memory_space<semaphore_mem>>
      %dma_start3A_101 = arith.constant 0 : i32
      %dma_start3A_102 = tpu.memref_slice %arg4[%add3A, %dma_start3A_101] : memref<32x8192xf32, #tpu.memory_space<hbm>> -> memref<1x8192xf32, #tpu.memory_space<hbm>>
      %dma_start3A_103 = tpu.memref_squeeze %dma_start3A_102 : memref<1x8192xf32, #tpu.memory_space<hbm>> -> memref<8192xf32, #tpu.memory_space<hbm>>
      %dma_start3A_104 = arith.constant 0 : i32
      %dma_start3A_105 = tpu.memref_slice %arg4[%add3A, %dma_start3A_104] : memref<32x8192xf32, #tpu.memory_space<hbm>> -> memref<1x8192xf32, #tpu.memory_space<hbm>>
      %dma_start3A_106 = tpu.memref_squeeze %dma_start3A_105 : memref<1x8192xf32, #tpu.memory_space<hbm>> -> memref<8192xf32, #tpu.memory_space<hbm>>
      tpu.enqueue_dma source(%arg7 : memref<8192xf32, #tpu.memory_space<vmem>>) target(%dma_start3A_106 : memref<8192xf32, #tpu.memory_space<hbm>>) target_semaphore(%run_scoped3A : memref<!tpu.dma_semaphore, #tpu.memory_space<semaphore_mem>>)
      %dma_wait3A = arith.constant 0 : i32
      %dma_wait3A_107 = tpu.memref_slice %arg4[%add3A, %dma_wait3A] : memref<32x8192xf32, #tpu.memory_space<hbm>> -> memref<1x8192xf32, #tpu.memory_space<hbm>>
      %dma_wait3A_108 = tpu.memref_squeeze %dma_wait3A_107 : memref<1x8192xf32, #tpu.memory_space<hbm>> -> memref<8192xf32, #tpu.memory_space<hbm>>
      %dma_wait3A_109 = arith.constant 0 : i32
      %dma_wait3A_110 = tpu.memref_slice %arg4[%add3A, %dma_wait3A_109] : memref<32x8192xf32, #tpu.memory_space<hbm>> -> memref<1x8192xf32, #tpu.memory_space<hbm>>
      %dma_wait3A_111 = tpu.memref_squeeze %dma_wait3A_110 : memref<1x8192xf32, #tpu.memory_space<hbm>> -> memref<8192xf32, #tpu.memory_space<hbm>>
      tpu.wait_dma2 semaphore(%run_scoped3A : memref<!tpu.dma_semaphore, #tpu.memory_space<semaphore_mem>>) src(%arg7 : memref<8192xf32, #tpu.memory_space<vmem>>) dst(%dma_wait3A_111 : memref<8192xf32, #tpu.memory_space<hbm>>)
      tpu.yield
    }) : () -> ()
    "tpu.region"() ({
      %run_scoped3A = tpu.sem_alloc : memref<!tpu.dma_semaphore, #tpu.memory_space<semaphore_mem>>
      %dma_start3A_101 = arith.constant 0 : i32
      %dma_start3A_102 = tpu.memref_slice %arg5[%add3A, %dma_start3A_101] : memref<32x64xi32, #tpu.memory_space<hbm>> -> memref<1x64xi32, #tpu.memory_space<hbm>>
      %dma_start3A_103 = tpu.memref_squeeze %dma_start3A_102 : memref<1x64xi32, #tpu.memory_space<hbm>> -> memref<64xi32, #tpu.memory_space<hbm>>
      %dma_start3A_104 = arith.constant 0 : i32
      %dma_start3A_105 = tpu.memref_slice %arg5[%add3A, %dma_start3A_104] : memref<32x64xi32, #tpu.memory_space<hbm>> -> memref<1x64xi32, #tpu.memory_space<hbm>>
      %dma_start3A_106 = tpu.memref_squeeze %dma_start3A_105 : memref<1x64xi32, #tpu.memory_space<hbm>> -> memref<64xi32, #tpu.memory_space<hbm>>
      tpu.enqueue_dma source(%arg9 : memref<64xi32, #tpu.memory_space<vmem>>) target(%dma_start3A_106 : memref<64xi32, #tpu.memory_space<hbm>>) target_semaphore(%run_scoped3A : memref<!tpu.dma_semaphore, #tpu.memory_space<semaphore_mem>>)
      %dma_wait3A = arith.constant 0 : i32
      %dma_wait3A_107 = tpu.memref_slice %arg5[%add3A, %dma_wait3A] : memref<32x64xi32, #tpu.memory_space<hbm>> -> memref<1x64xi32, #tpu.memory_space<hbm>>
      %dma_wait3A_108 = tpu.memref_squeeze %dma_wait3A_107 : memref<1x64xi32, #tpu.memory_space<hbm>> -> memref<64xi32, #tpu.memory_space<hbm>>
      %dma_wait3A_109 = arith.constant 0 : i32
      %dma_wait3A_110 = tpu.memref_slice %arg5[%add3A, %dma_wait3A_109] : memref<32x64xi32, #tpu.memory_space<hbm>> -> memref<1x64xi32, #tpu.memory_space<hbm>>
      %dma_wait3A_111 = tpu.memref_squeeze %dma_wait3A_110 : memref<1x64xi32, #tpu.memory_space<hbm>> -> memref<64xi32, #tpu.memory_space<hbm>>
      tpu.wait_dma2 semaphore(%run_scoped3A : memref<!tpu.dma_semaphore, #tpu.memory_space<semaphore_mem>>) src(%arg9 : memref<64xi32, #tpu.memory_space<vmem>>) dst(%dma_wait3A_111 : memref<64xi32, #tpu.memory_space<hbm>>)
      tpu.yield
    }) : () -> ()
    return
  }
}

</mosaic_0001>

<sc_bundles>
// kernel: _sc_call.3.cloned.1.call-start
scs
__scs_entry_jumppad:
0x0: {  	(pc) =	sbr.rel $0x88, $3  }
0x1: {  	(tag) =	ssettag $0x0;
	lr =	simm.s32 $0x1  }
0x2: {  	[smem:$0x3F9F] =	sst lr;
	_ =	strace $0xD0000000  }
0x3: {  	_ = 	snop  }
0x4: {  	_ = 	snop  }
0x5: {  	_ = 	snop  }
0x6: {  	_ = 	snop  }
0x7: {  	_ = 	snop  }
__scs_overlays_trampoline_lowered:
0x8: {  	[smem:$0x3FAE] =	sst s0  }
0x9: {  	[smem:$0x3FAF] =	sst s1  }
0xa: {  	[smem:$0x3FB0] =	sst s2  }
0xb: {  	[smem:$0x3FB1] =	sst s3  }
0xc: {  	[smem:$0x3FB2] =	sst s4  }
0xd: {  	[smem:$0x3FB3] =	sst s5  }
0xe: {  	[smem:$0x3FB4] =	sst s6  }
0xf: {  	[smem:$0x3FB5] =	sst s7  }
0x10: {  	[smem:$0x3FB6] =	sst s8  }
0x11: {  	[smem:$0x3FB7] =	sst s9;
	s0 =	simm.s32 @!p0 $0x0  }
0x12: {  	s1 =	sld [smem:$0x3F9D];
	s0 =	simm.s32 @p0 $0x1  }
0x13: {  	[smem:$0x3FB8] =	sst s0;
	s0 =	simm.s32 @!p1 $0x0  }
0x14: {  	s2 =	sld [smem:$0x3F9C];
	s0 =	simm.s32 @p1 $0x1  }
0x15: {  	[smem:$0x3FB9] =	sst s0;
	s0 =	simm.s32 @!p2 $0x0  }
0x16: {  	s3 =	sld [smem:$0x3FDB];
	s0 =	simm.s32 @p2 $0x1  }
0x17: {  	s4 =	simm.s32 $0x1BF5;
	[smem:$0x3FBB] =	sst s0  }
0x18: {  	s0 =	sld [smem:$0x3F9E];
	_ =	swait.ge [sflag:s4], $0x0  }
0x19: {  	s7 =	sld [smem:$0x3F9F]  }
0x1a: {  	s8 =	sadd.s32 $0xFFFFE003, lr  }
0x1b: {  	s9 =	sadd.s32 $0xFFFFFEF7, lr;
	s5 =	simm.s32 $0xFFFFFFFF;
	p2 =	slt.u32 s8, $0xFFFFF086  }
0x1c: {  	p1 =	slt.u32 s9, $0xF7A;
	s5 =	simm.s32 @!p2 $0x0  }
0x1d: {  	s5 =	simm.s32 @p1 $0x1;
	p0 =	seq.s32 s7, s2  }
0x1e: {  	s7 =	smul.u32 @!p0 $0xF7A, s2;
	p2 =	seq.s32 @!p0 s5, $0x0  }
0x1f: {  	s9 =	smul.u32 $0xF7A, s1;
	s8 =	simm.s32 @!p0 $0x1BF5;
	p2 =	por !p2, p0  }
0x20: {  	[sflag:s8] =	ssyncset.s32 @!p0 $0xFFFFF086;
	s6 =	sadd.s32 @!p0 s3, s7;
	s7 =	simm.s32 @!p0 $0x108  }
0x21: {  	s3 =	sadd.s32 s3, s9;
	s6 =	sadd.s32 @!p0 $0x88, s6;
	s7 =	simm.s32 @p2 $0x1082  }
0x22: {  	[simem:s7], [sflag:s8] =	dma.local @!p0 [hbm:s6], $0xF7A  }
0x23: {  	s9 =	sor.u32 $0xD0000000, s2;
	s6 =	simm.s32 $0x108;
	_ =	swait.ge @!p0 [sflag:s8], $0x0  }
0x24: {  	s3 =	sadd.s32 $0x88, s3;
	s6 =	simm.s32 @!p1 $0x1082;
	[sflag:s4] =	ssyncset.s32 $0xFFFFF086  }
0x25: {  	[simem:s6], [sflag:s4] =	dma.local [hbm:s3], $0xF7A  }
0x26: {  	[smem:$0x3F9F] =	sst s1;
	(tag) =	ssettag s2;
	_ =	strace s9  }
0x27: {  	s1 =	sld [smem:$0x3FAF]  }
0x28: {  	s2 =	sld [smem:$0x3FB0]  }
0x29: {  	s4 =	sld [smem:$0x3FB2]  }
0x2a: {  	p0 =	seq.s32 s5, $0x0;
	s5 =	sld [smem:$0x3FB3]  }
0x2b: {  	s6 =	sld [smem:$0x3FB4]  }
0x2c: {  	s7 =	sld [smem:$0x3FB5]  }
0x2d: {  	s3 =	simm.s32 $0x108;
	s8 =	sld [smem:$0x3FB6]  }
0x2e: {  	s3 =	simm.s32 @!p0 $0x1082;
	s9 =	sld [smem:$0x3FB7]  }
0x2f: {  	lr =	sadd.s32 s0, s3;
	s0 =	sld [smem:$0x3FAE]  }
0x30: {  	s3 =	sld [smem:$0x3FB1]  }
0x31: {  	[smem:$0x3FBA] =	sst s10  }
0x32: {  	s10 =	sld [smem:$0x3FB8];
	_ =	sdelay $0x3  }
0x33: {  	p0 =	seq.s32 s10, $0x1;
	s10 =	sld [smem:$0x3FBA];
	_ =	sdelay $0x3  }
0x34: {  	[smem:$0x3FBA] =	sst s10  }
0x35: {  	s10 =	sld [smem:$0x3FB9];
	_ =	sdelay $0x3  }
0x36: {  	p1 =	seq.s32 s10, $0x1;
	s10 =	sld [smem:$0x3FBA];
	_ =	sdelay $0x3  }
0x37: {  	[smem:$0x3FBA] =	sst s10  }
0x38: {  	s10 =	sld [smem:$0x3FBB]  }
0x39: {  	_ = 	snop;
	(pc) =	sbr.ind lr, $3  }
0x3a: {  	_ = 	snop  }
0x3b: {  	_ = 	snop  }
0x3c: {  	p2 =	seq.s32 s10, $0x1;
	s10 =	sld [smem:$0x3FBA]  }
0x3d: {  	_ =	shalt  }
0x3e: {  	_ =	shalt  }
0x3f: {  	_ =	shalt  }
0x40: {  	_ =	shalt  }
0x41: {  	_ =	shalt  }
0x42: {  	_ =	shalt  }
0x43: {  	_ =	shalt  }
0x44: {  	_ =	shalt  }
0x45: {  	_ =	shalt  }
0x46: {  	_ =	shalt  }
0x47: {  	_ =	shalt  }
0x48: {  	_ =	shalt  }
0x49: {  	_ =	shalt  }
0x4a: {  	_ =	shalt  }
0x4b: {  	_ =	shalt  }
0x4c: {  	_ =	shalt  }
0x4d: {  	_ =	shalt  }
0x4e: {  	_ =	shalt  }
0x4f: {  	_ =	shalt  }
0x50: {  	_ =	shalt  }
0x51: {  	_ =	shalt  }
0x52: {  	_ =	shalt  }
0x53: {  	_ =	shalt  }
0x54: {  	_ =	shalt  }
0x55: {  	_ =	shalt  }
0x56: {  	_ =	shalt  }
0x57: {  	_ =	shalt  }
0x58: {  	_ =	shalt  }
0x59: {  	_ =	shalt  }
0x5a: {  	_ =	shalt  }
0x5b: {  	_ =	shalt  }
0x5c: {  	_ =	shalt  }
0x5d: {  	_ =	shalt  }
0x5e: {  	_ =	shalt  }
0x5f: {  	_ =	shalt  }
0x60: {  	_ =	shalt  }
0x61: {  	_ =	shalt  }
0x62: {  	_ =	shalt  }
0x63: {  	_ =	shalt  }
0x64: {  	_ =	shalt  }
0x65: {  	_ =	shalt  }
0x66: {  	_ =	shalt  }
0x67: {  	_ =	shalt  }
0x68: {  	_ =	shalt  }
0x69: {  	_ =	shalt  }
0x6a: {  	_ =	shalt  }
0x6b: {  	_ =	shalt  }
0x6c: {  	_ =	shalt  }
0x6d: {  	_ =	shalt  }
0x6e: {  	_ =	shalt  }
0x6f: {  	_ =	shalt  }
0x70: {  	_ =	shalt  }
0x71: {  	_ =	shalt  }
0x72: {  	_ =	shalt  }
0x73: {  	_ =	shalt  }
0x74: {  	_ =	shalt  }
0x75: {  	_ =	shalt  }
0x76: {  	_ =	shalt  }
0x77: {  	_ =	shalt  }
0x78: {  	_ =	shalt  }
0x79: {  	_ =	shalt  }
0x7a: {  	_ =	shalt  }
0x7b: {  	_ =	shalt  }
0x7c: {  	_ =	shalt  }
0x7d: {  	_ =	shalt  }
0x7e: {  	_ =	shalt  }
0x7f: {  	_ =	shalt  }
0x80: {  	_ =	shalt  }
0x81: {  	_ =	shalt  }
0x82: {  	_ =	shalt  }
0x83: {  	_ =	shalt  }
0x84: {  	_ =	shalt  }
0x85: {  	_ =	shalt  }
0x86: {  	_ =	shalt  }
0x87: {  	_ =	shalt  }
.Lfunc_end0:
.L_simem_size_0:
called_computation_lowered:
.L_overlay_start_0:
0x88: {  	s2 =	sld [smem:$0x3FD9]  }
0x89: {  	s3 =	sld [smem:$0x3FFE];
	_ =	sdelay $0x1  }
0x8a: {  	s1 =	srdreg.scid  }
0x8b: {  	s0 =	sand.u32 $0x1, s1  }
0x8c: {  	s15 =	sshll.u32 s0, $0xA;
	s2 =	sadd.s32 s3, s2  }
0x8d: {  	s2 =	sadd.s32 s2, s15  }
0x8e: {  	[smem:$0x3FC6] =	sst s2  }
0x8f: {  	_ = 	snop  }
0x90: {  	s2 =	sld [smem:$0x3FD0];
	_ =	sdelay $0x1  }
0x91: {  	s16 =	sld [smem:$0x3FC9]  }
0x92: {  	s5 =	simm.s32 $0xA;
	s6 =	simm.s32 $0x10;
	s4 =	sld [smem:$0x3FC8]  }
0x93: {  	[smem:s6], [sflag:s5] =	dma.local [hbm:s2], $0x1  }
0x94: {  	_ =	swait.eq [sflag:s5], $0x1  }
0x95: {  	[sflag:s5] =	ssyncset.done $0x0  }
0x96: {  	s17 =	sld [smem:$0x10];
	[sflag:s5] =	ssyncadd.s32 $0xFFFFFFFF  }
0x97: {  	s18 =	sld [smem:$0x11];
	(tm) =	ssettm $0x1  }
0x98: {  	s19 =	sld [smem:$0x3FFB];
	_ =	sdelay $0x3  }
0x99: {  	_ =	strace s19  }
0x9a: {  	s6 =	sld [smem:$0x3FFC];
	_ =	sdelay $0x3  }
0x9b: {  	_ =	strace s6  }
0x9c: {  	s6 =	sld [smem:$0x3FFD];
	_ =	sdelay $0x3  }
0x9d: {  	_ =	strace s6  }
0x9e: {  	_ =	strace $0x8FFFFFFF  }
0x9f: {  	s20 =	sld [smem:$0x3FDB];
	_ =	sdelay $0x1  }
0xa0: {  	s7 =	simm.s32 $_scs_section_size  }
0xa1: {  	s8 =	simm.s32 $_size__tile_overlayer_lowered;
	s9 =	simm.s32 $_tile_overlayer_lowered  }
0xa2: {  	s23 =	simm.s32 $0x1BFF;
	s22 =	sshll.u32 s9, $0x1;
	s6 =	sadd.s32 s7, s20  }
0xa3: {  	s10 =	simm.s32 $0x0;
	s21 =	sshll.u32 s8, $0x1;
	s8 =	sadd.s32 s22, s6  }
0xa4: {  	[timem:s10], [sflag:s23] =	dma.local [hbm:s8], s21  }
0xa5: {  	_ =	swait.ge [sflag:s23], s21  }
0xa6: {  	s7 =	ssub.s32 $0x0, s21;
	[sflag:s23] =	ssyncset.done $0x0  }
0xa7: {  	[sflag:s23] =	ssyncadd.s32 s7;
	_ =	sdelay $0x1  }
0xa8: {  	s24 =	simm.s32 $0x1B8B  }
0xa9: {  	_ =	swait.ge [sflag:s24], $0x1  }
0xaa: {  	[sflag:s24] =	ssyncset.done $0x0  }
0xab: {  	s25 =	simm.s32 $0x1B8E;
	[sflag:s24] =	ssyncadd.s32 $0xFFFFFFFF  }
0xac: {  	s26 =	simm.s32 $execute0_lowered;
	[smem:$0x3FD2] =	sst s25  }
0xad: {  	s7 =	sshll.u32 s26, $0x1;
	_ =	strace $0x80000046;
	[dreg:$0x1] =	wrdreg $0xFFFFFFFF  }
0xae: {  	s28 =	simm.s32 $_size_execute0_lowered;
	s6 =	sadd.s32 s6, s7;
	[dreg:$0x0] =	wrdreg $0x0  }
0xaf: {  	s7 =	sshll.u32 s28, $0x1;
	[dreg:$0x2] =	wrdreg s6  }
0xb0: {  	[dreg:$0x3] =	wrdreg s7  }
0xb1: {  	[dreg:$0x4] =	wrdreg $0xC0  }
0xb2: {  	_ =	task [dreg:s10], $0x5FFFF  }
0xb3: {  	[dreg:$0x1] =	wrdreg $0xFFFFFFFF  }
0xb4: {  	[dreg:$0x0] =	wrdreg $0x60  }
0xb5: {  	[dreg:$0x2] =	wrdreg s16  }
0xb6: {  	[dreg:$0x3] =	wrdreg s4  }
0xb7: {  	[dreg:$0x4] =	wrdreg s17  }
0xb8: {  	[dreg:$0x5] =	wrdreg s18  }
0xb9: {  	[dreg:$0x6] =	wrdreg $0x9  }
0xba: {  	_ =	task.clear_ibuf [dreg:s10], $0x7FFFF;
	_ =	strace $0x90000046  }
0xbb: {  	s29 =	simm.s32 $0x9;
	_ =	strace $0x80000048  }
0xbc: {  	_ =	swait.ge [sflag:s29], $0x1  }
0xbd: {  	[sflag:s29] =	ssyncadd.s32 $0xFFFFFFFF  }
0xbe: {  	_ =	strace $0x90000048  }
0xbf: {  	_ =	sfence  }
0xc0: {  	s30 =	sld [smem:$0x0];
	_ =	sdelay $0x2  }
0xc1: {  	s31 =	sshll.u32 s1, $0xD;
	s1 =	sshrl.u32 s1, $0x2  }
0xc2: {  	s3 =	sand.u32 $0x4000, s31;
	s1 =	sadd.s32 s1, s30  }
0xc3: {  	s0 =	sor.u32 s3, s0;
	s1 =	sshll.u32 s1, $0x11  }
0xc4: {  	s0 =	sor.u32 s1, s0  }
0xc5: {  	s0 =	sadd.s32 $0x8F2B, s0  }
0xc6: {  	[sflag:s0] =	ssyncadd.remote.s32 $0x1  }
0xc7: {  	_ =	sfence.sel $0xFFFF  }
0xc8: {  	[dreg:$0x0] =	wrdreg $0xFFFFFFFF;
	(pc) =	sbr.abs _section_cstart, $3  }
0xc9: {  	[dreg:$0x1] =	wrdreg $0xFFFFFFFF  }
0xca: {  	_ =	task.clear_ibuf [dreg:s10], $0x2FFFF;
	_ =	strace $0x9FFFFFFF  }
0xcb: {  	(tm) =	ssettm $0x7FFFFFFF  }
tec
execute0_lowered:
.L_overlay_start_1:
0x0: {  	(tag) =	ssettag $0x1  }
0x1: {  	s0 =	rddreg [dreg:$0x0]  }
0x2: {  	s1 =	rddreg [dreg:$0x1];
	s2 =	srdreg.scid  }
0x3: {  	s5 =	stileid.u32;
	s3 =	rddreg [dreg:$0x2]  }
0x4: {  	s6 =	rddreg [dreg:$0x3];
	s10 =	simm.s32 $0x0;
	s14 =	simm.s32 $0x3000  }
0x5: {  	s17 =	simm.s32 $0x1;
	s18 =	simm.s32 $0x1000;
	s19 =	simm.s32 $0x2  }
0x6: {  	s22 =	simm.s32 $0x0;
	s2 =	sand.u32 $0x1, s2;
	s4 =	sshll.u32 s5, $0x1  }
0x7: {  	s7 =	sshrl.u32 s5, $0x2;
	[smem:$0x7FF] =	sst s10;
	s4 =	sor.u32 s2, s4  }
0x8: {  	s24 =	sshll.u32 s7, $0xF;
	s2 =	ssub.s32 $0x2, s2;
	_ =	strace $0x80000047  }
0x9: {  	s26 =	sshll.u32 s7, $0x10;
	s7 =	sshll.u32 s7, $0xA;
	s23 =	sshll.u32 s4, $0x7  }
0xa: {  	s9 =	sshrl.u32 s2, $0x1;
	s25 =	sshll.u32 s4, $0x11;
	s8 =	sand.u32 $0x380, s23  }
0xb: {  	s2 =	ssub.s32 s2, s9;
	s5 =	sor.u32 s24, s8;
	s7 =	sor.u32 s7, s8  }
0xc: {  	s31 =	smax.u32 s2, $0x1;
	s2 =	simm.s32 $0x80;
	s5 =	sshrl.u32 s5, $0x3  }
0xd: {  	s29 =	sshrl.u32 s7, $0x3;
	[dreg:$0x9] =	wrdreg s31;
	s0 =	sadd.s32 s0, s5  }
0xe: {  	s5 =	sshll.u32 s4, $0x14;
	s4 =	sor.u32 s26, s8;
	s30 =	sadd.s32 s6, s29  }
0xf: {  	s6 =	simm.s32 $0x0;
	[dreg:$0x5] =	wrdreg s0;
	s0 =	sadd.s32 s25, s1  }
0x10: {  	s28 =	sshrl.u32 s4, $0x3;
	[dreg:$0x8] =	wrdreg s30;
	s0 =	sadd.s32 $0x10000, s0  }
0x11: {  	s7 =	sor.u32 $0x90000, s5;
	[dreg:$0x6] =	wrdreg s0;
	s0 =	sadd.s32 s3, s28  }
0x12: {  	v0 =	vimm.f32 $0.0e+00;
	v1 =	vimm.f32 $1.000000000e+00;
	s4 =	simm.s32 $0x3;
	s3 =	simm.s32 $0x400;
	[dreg:$0x7] =	wrdreg s0  }
.LBB2_1:
0x13: {  	s0 =	rddreg [dreg:$0x5]  }
0x14: {  	[tilespmem:s10], [sflag:$0x3] =	stream.strided.gather [hbm4b:s0+s2], $0x1000, s3, s2, $0x38;
	[tilespmem:$0x13180] =	vst v63  }
0x15: {  	_ =	swait.ge [sflag:s4], $0x1000  }
0x16: {  	[sflag:s4] =	ssyncset.done $0x0  }
0x17: {  	s0 =	simm.s32 $0x1040;
	[sflag:s4] =	ssyncadd.s32 $0xFFFFF000  }
0x18: {  	[tilespmem:s0+$0xFFFFFFC0] =	vst v0  }
0x19: {  	[tilespmem:s0+$0x30] =	vst v0  }
0x1a: {  	[tilespmem:s0+$0x20] =	vst v0  }
0x1b: {  	[tilespmem:s0+$0x10] =	vst v0  }
0x1c: {  	[tilespmem:s0+$0x0] =	vst v0  }
0x1d: {  	[tilespmem:s0+$0xFFFFFFF0] =	vst v0  }
0x1e: {  	s2 =	simm.s32 $0x0;
	[tilespmem:s0+$0xFFFFFFE0] =	vst v0  }
.LBB2_2:
0x1f: {  	s2 =	sadd.s32 $0x8, s2;
	[tilespmem:s0+$0xFFFFFFD0] =	vst v0;
	s0 =	sadd.s32 $0x80, s0  }
0x20: {  	[tilespmem:s0+$0xFFFFFFC0] =	vst v0;
	p0 =	slt.u32 s2, $0x1F8  }
0x21: {  	[tilespmem:s0+$0x30] =	vst v0  }
.Ltmp0:
0x22: {  	[tilespmem:s0+$0x20] =	vst v0;
	(pc) =	sbr.rel @p0 .LBB2_2-.Ltmp0, $4  }
0x23: {  	[tilespmem:s0+$0x10] =	vst v0  }
0x24: {  	[tilespmem:s0+$0x0] =	vst v0  }
0x25: {  	[tilespmem:s0+$0xFFFFFFF0] =	vst v0  }
0x26: {  	[tilespmem:s0+$0xFFFFFFE0] =	vst v0  }
0x27: {  	[dreg:$0xa] =	wrdreg s6  }
0x28: {  	[tilespmem:s0+$0xFFFFFFD0] =	vst v0  }
0x29: {  	[tilespmem:$0x3000] =	vst v0  }
0x2a: {  	[tilespmem:$0x3010] =	vst v0  }
0x2b: {  	[tilespmem:$0x3020] =	vst v0  }
0x2c: {  	s31 =	simm.s32 $0x20;
	[tilespmem:$0x3030] =	vst v0  }
0x2d: {  	v5 =	vld [tilespmem:s31+$0x10];
	_ =	sdelay $0x4  }
0x2e: {  	v4 =	vld [tilespmem:s31+$0xFFFFFFE0]  }
0x2f: {  	v2 =	vld [tilespmem:s31+$0xFFFFFFF0]  }
0x30: {  	v3 =	vld [tilespmem:s31+$0x0]  }
0x31: {  	s2 =	simm.s32 $0x60;
	s0 =	simm.s32 $0x0;
	[tilespmem:v5+s14+$0x0] =	vst.idx.add.f32.msk $0xffff, v1  }
.LBB2_4:
0x32: {  	v5 =	vld [tilespmem:s2+$0x10];
	s0 =	sadd.s32 $0x4, s0  }
0x33: {  	v6 =	vld [tilespmem:s2+$0xFFFFFFF0];
	p0 =	slt.u32 s0, $0xFC  }
0x34: {  	v7 =	vld [tilespmem:s2+$0x0]  }
0x35: {  	v8 =	vld [tilespmem:s2+$0xFFFFFFE0]  }
.Ltmp1:
0x36: {  	[tilespmem:v4+s14+$0x0] =	vst.idx.add.f32.msk $0xffff, v1;
	(pc) =	sbr.rel @p0 .LBB2_4-.Ltmp1, $4  }
0x37: {  	[tilespmem:v2+s14+$0x0] =	vst.idx.add.f32.msk $0xffff, v1  }
0x38: {  	[tilespmem:v3+s14+$0x0] =	vst.idx.add.f32.msk $0xffff, v1;
	v2 =	vmov v6  }
0x39: {  	v3 =	vmov v7  }
0x3a: {  	s2 =	sadd.s32 $0x40, s2;
	[tilespmem:v5+s14+$0x0] =	vst.idx.add.f32.msk $0xffff, v1;
	v4 =	vmov v8  }
0x3b: {  	_ =	sdelay $0x3  }
0x3c: {  	[tilespmem:v4+s14+$0x0] =	vst.idx.add.f32.msk $0xffff, v1  }
0x3d: {  	[tilespmem:v2+s14+$0x0] =	vst.idx.add.f32.msk $0xffff, v1  }
0x3e: {  	[tilespmem:v3+s14+$0x0] =	vst.idx.add.f32.msk $0xffff, v1  }
0x3f: {  	s2 =	simm.s32 $0x3180;
	s23 =	simm.s32 $0x0;
	s0 =	rddreg [dreg:$0x6]  }
0x40: {  	[tilespmem:s2], [sflag:$0x1] =	stream.linear.gather [hbm4b:s0+s22], $0x8000, $0x38;
	[tilespmem:$0x13180] =	vst v63  }
.LBB2_6:
0x41: {  	s25 =	sshll.u32 s23, $0x10  }
0x42: {  	s0 =	sor.u32 s25, s5  }
0x43: {  	s0 =	sshrl.u32 s0, $0x3  }
0x44: {  	s0 =	sor.u32 $0x11000, s0  }
0x45: {  	s2 =	simm.s32 $0xB180;
	s0 =	sadd.s32 s1, s0  }
0x46: {  	[tilespmem:s2], [sflag:$0x2] =	stream.linear.gather [hbm4b:s0+s22], $0x8000, $0x38;
	[tilespmem:$0x13180] =	vst v63  }
0x47: {  	s12 =	sand.u32 $0x40, s22;
	_ =	swait.ge [sflag:s17], $0x8000  }
0x48: {  	s13 =	sand.u32 $0xF80, s22;
	s3 =	sor.u32 $0x30, s12;
	[sflag:s17] =	ssyncset.done $0x0  }
0x49: {  	s6 =	sor.u32 $0x10, s12;
	s4 =	sor.u32 s3, s13;
	[sflag:s17] =	ssyncadd.s32 $0xFFFF8000  }
0x4a: {  	s8 =	sor.u32 s6, s13;
	v4 =	vld [tilespmem:s4+$0x0]  }
0x4b: {  	s15 =	sor.u32 $0x20, s12;
	v5 =	vld [tilespmem:s8+$0x0]  }
0x4c: {  	s16 =	sand.u32 $0x7C00, s22;
	s2 =	sor.u32 s15, s13  }
0x4d: {  	s24 =	sshll.u32 s23, $0xA;
	s20 =	sadd.s32 $0x3180, s16;
	v6 =	vld [tilespmem:s2+$0x0]  }
0x4e: {  	v2 =	vmov s24;
	v7 =	vld [tilespmem:s22+$0x0];
	s8 =	sor.u32 s3, s20  }
0x4f: {  	s6 =	sor.u32 s6, s20;
	v9 =	vld [tilespmem:s8+$0x0];
	v8 =	vadd.s32 v2, v4  }
0x50: {  	v11 =	vld [tilespmem:s6+$0x0];
	v10 =	vadd.s32 v2, v5  }
0x51: {  	s21 =	sor.u32 s15, s20  }
0x52: {  	s2 =	sor.u32 s12, s20;
	v13 =	vld [tilespmem:s21+$0x0];
	v12 =	vadd.s32 v2, v6  }
0x53: {  	v14 =	vld [tilespmem:s2+$0x0];
	v3 =	vadd.s32 v2, v7  }
0x54: {  	[tilespmem:v8+s18+$0x0] =	vst.idx.add.f32.msk $0xffff, v9  }
0x55: {  	[tilespmem:v10+s18+$0x0] =	vst.idx.add.f32.msk $0xffff, v11  }
0x56: {  	v15 =	vadd.s32 $0x40, v8;
	v9 =	vld [tilespmem:s8+$0x80]  }
0x57: {  	[tilespmem:v12+s18+$0x0] =	vst.idx.add.f32.msk $0xffff, v13  }
0x58: {  	[tilespmem:v3+s18+$0x0] =	vst.idx.add.f32.msk $0xffff, v14  }
0x59: {  	v48 =	vld [tilespmem:s6+$0x80]  }
0x5a: {  	v4 =	vand.u32 $0x7F, v4;
	v49 =	vand.u32 $0xFFFFFF80, v8;
	v11 =	vadd.s32 $0x40, v10;
	v50 =	vld [tilespmem:s21+$0x80]  }
0x5b: {  	v16 =	vadd.s32 $0x40, v12;
	v4 =	vor.u32 v4, v49;
	[tilespmem:v15+s18+$0x0] =	vst.idx.add.f32.msk $0xffff, v9  }
0x5c: {  	v14 =	vadd.s32 $0x80, v4;
	v9 =	vld [tilespmem:s8+$0x100];
	_ =	sdelay $0x1  }
0x5d: {  	v17 =	vld [tilespmem:s2+$0x80]  }
0x5e: {  	v18 =	vadd.s32 $0x40, v3;
	[tilespmem:v11+s18+$0x0] =	vst.idx.add.f32.msk $0xffff, v48  }
0x5f: {  	[tilespmem:v16+s18+$0x0] =	vst.idx.add.f32.msk $0xffff, v50  }
0x60: {  	v5 =	vand.u32 $0x7F, v5;
	v6 =	vand.u32 $0x7F, v6;
	v51 =	vand.u32 $0xFFFFFF80, v10;
	[tilespmem:v14+s18+$0x0] =	vst.idx.add.f32.msk $0xffff, v9  }
0x61: {  	v19 =	vadd.s32 $0xC0, v8;
	v5 =	vor.u32 v5, v51;
	v9 =	vand.u32 $0xFFFFFF80, v12;
	v14 =	vld [tilespmem:s8+$0x180]  }
0x62: {  	p0 =	por $0x0, $0x0;
	s0 =	simm.s32 $0x1;
	v11 =	vld [tilespmem:s6+$0x100];
	v52 =	vor.u32 v6, v9;
	v6 =	vadd.s32 $0x80, v5  }
0x63: {  	s0 =	simm.s32 @!p0 $0x0;
	v7 =	vand.u32 $0x7F, v7;
	[tilespmem:v18+s18+$0x0] =	vst.idx.add.f32.msk $0xffff, v17;
	v9 =	vand.u32 $0xFFFFFF80, v3  }
0x64: {  	s0 =	sshll.u32 s0, $0x6;
	v53 =	vadd.s32 $0x80, v52;
	v54 =	vor.u32 v7, v9;
	v7 =	vld [tilespmem:s21+$0x100]  }
0x65: {  	s0 =	sadd.s32 $0x0, s0;
	v9 =	vld [tilespmem:s2+$0x100]  }
0x66: {  	s26 =	sadd.s32 $0x30, s0;
	v55 =	vadd.s32 $0x80, v54;
	[tilespmem:v19+s18+$0x0] =	vst.idx.add.f32.msk $0xffff, v14  }
0x67: {  	s31 =	sor.u32 $0x200, s26;
	[tilespmem:v6+s18+$0x0] =	vst.idx.add.f32.msk $0xffff, v11  }
0x68: {  	v14 =	vld [tilespmem:s31+$0x3180]  }
0x69: {  	v56 =	vadd.s32 $0x100, v4;
	[tilespmem:v53+s18+$0x0] =	vst.idx.add.f32.msk $0xffff, v7  }
0x6a: {  	v7 =	vld [tilespmem:s6+$0x180]  }
0x6b: {  	v6 =	vadd.s32 $0xC0, v10;
	[tilespmem:v55+s18+$0x0] =	vst.idx.add.f32.msk $0xffff, v9  }
0x6c: {  	v57 =	vld [tilespmem:s21+$0x180]  }
0x6d: {  	v59 =	vadd.s32 $0xC0, v3;
	v17 =	vld [tilespmem:s2+$0x180]  }
0x6e: {  	s8 =	sor.u32 $0x280, s26;
	[tilespmem:v56+s18+$0x0] =	vst.idx.add.f32.msk $0xffff, v14  }
0x6f: {  	s3 =	sadd.s32 $0x10, s0;
	v11 =	vadd.s32 $0x140, v8;
	v9 =	vld [tilespmem:s8+$0x3180]  }
0x70: {  	s9 =	sor.u32 $0x200, s3;
	[tilespmem:v6+s18+$0x0] =	vst.idx.add.f32.msk $0xffff, v7  }
0x71: {  	v58 =	vadd.s32 $0xC0, v12;
	v6 =	vld [tilespmem:s9+$0x3180]  }
0x72: {  	s13 =	sor.u32 $0x200, s0;
	[tilespmem:v59+s18+$0x0] =	vst.idx.add.f32.msk $0xffff, v17  }
0x73: {  	v61 =	vadd.s32 $0x100, v54;
	v60 =	vld [tilespmem:s13+$0x3180]  }
0x74: {  	s10 =	sor.u32 $0x300, s26;
	[tilespmem:v11+s18+$0x0] =	vst.idx.add.f32.msk $0xffff, v9;
	v9 =	vadd.s32 $0x100, v5  }
0x75: {  	s11 =	sadd.s32 $0x20, s0;
	v4 =	vadd.s32 $0x180, v4;
	v7 =	vld [tilespmem:s10+$0x3180]  }
0x76: {  	s12 =	sor.u32 $0x200, s11;
	[tilespmem:v58+s18+$0x0] =	vst.idx.add.f32.msk $0xffff, v57  }
0x77: {  	v14 =	vld [tilespmem:s12+$0x3180]  }
0x78: {  	[tilespmem:v61+s18+$0x0] =	vst.idx.add.f32.msk $0xffff, v60  }
0x79: {  	v11 =	vadd.s32 $0x100, v52;
	[tilespmem:v9+s18+$0x0] =	vst.idx.add.f32.msk $0xffff, v6  }
0x7a: {  	s15 =	sor.u32 $0x280, s3;
	[tilespmem:v4+s18+$0x0] =	vst.idx.add.f32.msk $0xffff, v7  }
0x7b: {  	s4 =	sor.u32 $0x380, s26;
	v6 =	vadd.s32 $0x1C0, v8;
	v7 =	vadd.s32 $0x140, v10;
	v8 =	vld [tilespmem:s15+$0x3180]  }
0x7c: {  	s20 =	sor.u32 $0x280, s0;
	v4 =	vld [tilespmem:s4+$0x3180]  }
0x7d: {  	v62 =	vld [tilespmem:s20+$0x3180]  }
0x7e: {  	s16 =	sor.u32 $0x280, s11;
	[tilespmem:v11+s18+$0x0] =	vst.idx.add.f32.msk $0xffff, v14  }
0x7f: {  	v63 =	vadd.s32 $0x140, v3;
	v11 =	vld [tilespmem:s16+$0x3180]  }
0x80: {  	v9 =	vadd.s32 $0x140, v12;
	[tilespmem:v7+s18+$0x0] =	vst.idx.add.f32.msk $0xffff, v8  }
0x81: {  	s21 =	sor.u32 $0x300, s3;
	[tilespmem:v6+s18+$0x0] =	vst.idx.add.f32.msk $0xffff, v4  }
0x82: {  	v4 =	vadd.s32 $0x180, v5;
	v7 =	vld [tilespmem:s21+$0x3180];
	_ =	sdelay $0x1  }
0x83: {  	[tilespmem:v63+s18+$0x0] =	vst.idx.add.f32.msk $0xffff, v62  }
0x84: {  	s26 =	sor.u32 $0x300, s11;
	[tilespmem:v9+s18+$0x0] =	vst.idx.add.f32.msk $0xffff, v11  }
0x85: {  	v9 =	vld [tilespmem:s26+$0x3180]  }
0x86: {  	s31 =	sor.u32 $0x300, s0;
	[tilespmem:v4+s18+$0x0] =	vst.idx.add.f32.msk $0xffff, v7;
	v7 =	vadd.s32 $0x180, v52  }
0x87: {  	s28 =	simm.s32 $0x40;
	v11 =	vadd.s32 $0x180, v54;
	v6 =	vld [tilespmem:s31+$0x3180]  }
0x88: {  	s29 =	simm.s32 $0x0;
	s30 =	simm.s32 $0x0;
	s3 =	sor.u32 $0x380, s3  }
0x89: {  	s0 =	sor.u32 $0x380, s0;
	s20 =	sor.u32 $0x380, s11;
	s26 =	simm.s32 $0x0;
	v5 =	vadd.s32 $0x1C0, v10;
	v4 =	vadd.s32 $0x1C0, v12;
	v8 =	vld [tilespmem:s3+$0x3180]  }
.LBB2_7:
0x8a: {  	v13 =	vld [tilespmem:s28+$0x0];
	s29 =	sadd.s32 $0x40, s29  }
0x8b: {  	s26 =	sadd.s32 $0x4, s26;
	s2 =	sand.u32 $0x40, s29;
	[tilespmem:v7+s18+$0x0] =	vst.idx.add.f32.msk $0xffff, v9  }
0x8c: {  	s3 =	sand.u32 $0xF80, s29;
	p1 =	slt.u32 s26, $0xFC;
	s4 =	sor.u32 $0x30, s2;
	[tilespmem:v11+s18+$0x0] =	vst.idx.add.f32.msk $0xffff, v6  }
0x8d: {  	s6 =	sor.u32 $0x10, s2;
	s8 =	sor.u32 $0x20, s2;
	s9 =	sor.u32 s4, s3;
	v7 =	vld [tilespmem:s20+$0x3180]  }
0x8e: {  	s11 =	sor.u32 s6, s3;
	s3 =	sor.u32 s8, s3;
	v14 =	vld [tilespmem:s9+$0x0]  }
0x8f: {  	s30 =	sadd.s32 $0x200, s30;
	v10 =	vld [tilespmem:s11+$0x0]  }
0x90: {  	s9 =	sand.u32 $0x7C00, s30;
	v11 =	vld [tilespmem:s3+$0x0]  }
0x91: {  	s3 =	sadd.s32 $0x3180, s9;
	v6 =	vld [tilespmem:s0+$0x3180]  }
0x92: {  	s31 =	sor.u32 s2, s3;
	s15 =	sor.u32 s6, s3;
	s0 =	sor.u32 s4, s3;
	[tilespmem:v5+s18+$0x0] =	vst.idx.add.f32.msk $0xffff, v8  }
0x93: {  	s2 =	sor.u32 s8, s3;
	v9 =	vadd.s32 v2, v14;
	v5 =	vld [tilespmem:s0+$0x0]  }
0x94: {  	v8 =	vadd.s32 v2, v13;
	v15 =	vld [tilespmem:s31+$0x0];
	v16 =	vadd.s32 v2, v10;
	v10 =	vand.u32 $0x7F, v10  }
0x95: {  	v12 =	vld [tilespmem:s15+$0x0];
	v17 =	vadd.s32 $0x40, v16;
	v18 =	vand.u32 $0xFFFFFF80, v16;
	v19 =	vadd.s32 v2, v11  }
0x96: {  	v11 =	vand.u32 $0x7F, v11;
	v20 =	vld [tilespmem:s2+$0x0];
	v21 =	vadd.s32 $0x40, v19;
	v22 =	vand.u32 $0xFFFFFF80, v19  }
0x97: {  	v10 =	vor.u32 v10, v18;
	v18 =	vadd.s32 $0xC0, v16;
	v22 =	vor.u32 v11, v22;
	[tilespmem:v4+s18+$0x0] =	vst.idx.add.f32.msk $0xffff, v7  }
0x98: {  	v25 =	vadd.s32 $0xC0, v19;
	v23 =	vadd.s32 $0x80, v10;
	v24 =	vadd.s32 $0x80, v22;
	[tilespmem:v9+s18+$0x0] =	vst.idx.add.f32.msk $0xffff, v5  }
0x99: {  	v29 =	vadd.s32 $0x40, v9;
	v26 =	vadd.s32 $0x100, v10;
	v27 =	vadd.s32 $0x100, v22;
	v28 =	vld [tilespmem:s0+$0x80]  }
0x9a: {  	v10 =	vadd.s32 $0x180, v10;
	v11 =	vadd.s32 $0x140, v19;
	[tilespmem:v16+s18+$0x0] =	vst.idx.add.f32.msk $0xffff, v12;
	v12 =	vadd.s32 $0x140, v16  }
0x9b: {  	v4 =	vadd.s32 $0x1C0, v19;
	v5 =	vadd.s32 $0x1C0, v16;
	v7 =	vadd.s32 $0x180, v22;
	[tilespmem:v19+s18+$0x0] =	vst.idx.add.f32.msk $0xffff, v20  }
0x9c: {  	[tilespmem:v8+s18+$0x0] =	vst.idx.add.f32.msk $0xffff, v15  }
0x9d: {  	v14 =	vand.u32 $0x7F, v14;
	v16 =	vand.u32 $0xFFFFFF80, v9;
	v15 =	vld [tilespmem:s15+$0x80]  }
0x9e: {  	v14 =	vor.u32 v14, v16;
	[tilespmem:v29+s18+$0x0] =	vst.idx.add.f32.msk $0xffff, v28  }
0x9f: {  	v19 =	vadd.s32 $0x80, v14;
	v16 =	vld [tilespmem:s0+$0x100]  }
0xa0: {  	v20 =	vld [tilespmem:s2+$0x80]  }
0xa1: {  	v22 =	vld [tilespmem:s31+$0x80]  }
0xa2: {  	v28 =	vadd.s32 $0x40, v8;
	[tilespmem:v17+s18+$0x0] =	vst.idx.add.f32.msk $0xffff, v15  }
0xa3: {  	v15 =	vld [tilespmem:s15+$0x100]  }
0xa4: {  	[tilespmem:v19+s18+$0x0] =	vst.idx.add.f32.msk $0xffff, v16  }
0xa5: {  	p0 =	por !p0, !p0;
	v17 =	vadd.s32 $0xC0, v9;
	v16 =	vld [tilespmem:s0+$0x180];
	s0 =	simm.s32 $0x1  }
0xa6: {  	s0 =	simm.s32 @!p0 $0x0;
	[tilespmem:v21+s18+$0x0] =	vst.idx.add.f32.msk $0xffff, v20  }
0xa7: {  	v13 =	vand.u32 $0x7F, v13;
	v19 =	vand.u32 $0xFFFFFF80, v8;
	s0 =	sshll.u32 s0, $0x6;
	[tilespmem:v28+s18+$0x0] =	vst.idx.add.f32.msk $0xffff, v22  }
0xa8: {  	v13 =	vor.u32 v13, v19;
	s0 =	sadd.s32 s0, s30;
	v19 =	vld [tilespmem:s2+$0x100]  }
0xa9: {  	v21 =	vadd.s32 $0x80, v13;
	v20 =	vld [tilespmem:s31+$0x100];
	s3 =	sadd.s32 $0x10, s0;
	s20 =	sadd.s32 $0x20, s0;
	s10 =	sadd.s32 $0x30, s0  }
0xaa: {  	s13 =	sor.u32 $0x200, s3;
	s21 =	sor.u32 $0x200, s20;
	[tilespmem:v17+s18+$0x0] =	vst.idx.add.f32.msk $0xffff, v16;
	s4 =	sor.u32 $0x200, s10  }
0xab: {  	s16 =	sor.u32 $0x200, s0;
	s9 =	sor.u32 $0x280, s3;
	s6 =	sor.u32 $0x280, s20;
	v17 =	vadd.s32 $0x100, v14;
	v16 =	vld [tilespmem:s4+$0x3180]  }
0xac: {  	s8 =	sor.u32 $0x280, s0;
	s12 =	sor.u32 $0x300, s20;
	s4 =	sor.u32 $0x300, s3;
	[tilespmem:v23+s18+$0x0] =	vst.idx.add.f32.msk $0xffff, v15  }
0xad: {  	s11 =	sor.u32 $0x300, s0;
	s20 =	sor.u32 $0x380, s20;
	s3 =	sor.u32 $0x380, s3;
	[tilespmem:v24+s18+$0x0] =	vst.idx.add.f32.msk $0xffff, v19  }
0xae: {  	s0 =	sor.u32 $0x380, s0;
	[tilespmem:v21+s18+$0x0] =	vst.idx.add.f32.msk $0xffff, v20  }
0xaf: {  	v15 =	vld [tilespmem:s15+$0x180]  }
0xb0: {  	s15 =	sor.u32 $0x280, s10;
	[tilespmem:v17+s18+$0x0] =	vst.idx.add.f32.msk $0xffff, v16  }
0xb1: {  	v17 =	vadd.s32 $0x140, v9;
	v16 =	vld [tilespmem:s15+$0x3180]  }
0xb2: {  	v19 =	vld [tilespmem:s2+$0x180]  }
0xb3: {  	v20 =	vld [tilespmem:s31+$0x180]  }
0xb4: {  	v21 =	vadd.s32 $0xC0, v8;
	[tilespmem:v18+s18+$0x0] =	vst.idx.add.f32.msk $0xffff, v15  }
0xb5: {  	v15 =	vld [tilespmem:s13+$0x3180]  }
0xb6: {  	s2 =	sor.u32 $0x300, s10;
	[tilespmem:v17+s18+$0x0] =	vst.idx.add.f32.msk $0xffff, v16  }
0xb7: {  	v14 =	vadd.s32 $0x180, v14;
	v16 =	vld [tilespmem:s2+$0x3180]  }
0xb8: {  	[tilespmem:v25+s18+$0x0] =	vst.idx.add.f32.msk $0xffff, v19  }
0xb9: {  	[tilespmem:v21+s18+$0x0] =	vst.idx.add.f32.msk $0xffff, v20  }
0xba: {  	v17 =	vld [tilespmem:s21+$0x3180]  }
0xbb: {  	v19 =	vadd.s32 $0x100, v13;
	v18 =	vld [tilespmem:s16+$0x3180]  }
0xbc: {  	s2 =	sor.u32 $0x380, s10;
	[tilespmem:v14+s18+$0x0] =	vst.idx.add.f32.msk $0xffff, v16  }
0xbd: {  	v9 =	vadd.s32 $0x1C0, v9;
	v14 =	vld [tilespmem:s2+$0x3180]  }
0xbe: {  	[tilespmem:v26+s18+$0x0] =	vst.idx.add.f32.msk $0xffff, v15  }
0xbf: {  	[tilespmem:v27+s18+$0x0] =	vst.idx.add.f32.msk $0xffff, v17  }
0xc0: {  	v15 =	vadd.s32 $0x1C0, v3;
	v3 =	vmov v8;
	[tilespmem:v19+s18+$0x0] =	vst.idx.add.f32.msk $0xffff, v18  }
0xc1: {  	v8 =	vld [tilespmem:s9+$0x3180]  }
0xc2: {  	[tilespmem:v9+s18+$0x0] =	vst.idx.add.f32.msk $0xffff, v14  }
0xc3: {  	v9 =	vld [tilespmem:s6+$0x3180]  }
0xc4: {  	v16 =	vadd.s32 $0x140, v3;
	v14 =	vld [tilespmem:s8+$0x3180]  }
0xc5: {  	[tilespmem:v15+s18+$0x0] =	vst.idx.add.f32.msk $0xffff, v6  }
0xc6: {  	[tilespmem:v12+s18+$0x0] =	vst.idx.add.f32.msk $0xffff, v8  }
0xc7: {  	v8 =	vld [tilespmem:s4+$0x3180]  }
0xc8: {  	[tilespmem:v11+s18+$0x0] =	vst.idx.add.f32.msk $0xffff, v9  }
.Ltmp2:
0xc9: {  	[tilespmem:v16+s18+$0x0] =	vst.idx.add.f32.msk $0xffff, v14;
	(pc) =	sbr.rel @p1 .LBB2_7-.Ltmp2, $4  }
0xca: {  	v9 =	vld [tilespmem:s12+$0x3180]  }
0xcb: {  	v11 =	vadd.s32 $0x180, v13;
	v6 =	vld [tilespmem:s11+$0x3180]  }
0xcc: {  	[tilespmem:v10+s18+$0x0] =	vst.idx.add.f32.msk $0xffff, v8  }
0xcd: {  	s28 =	sadd.s32 $0x40, s28;
	v8 =	vld [tilespmem:s3+$0x3180]  }
0xce: {  	_ =	sdelay $0x3  }
0xcf: {  	[tilespmem:v7+s18+$0x0] =	vst.idx.add.f32.msk $0xffff, v9  }
0xd0: {  	[tilespmem:v11+s18+$0x0] =	vst.idx.add.f32.msk $0xffff, v6  }
0xd1: {  	v2 =	vld [tilespmem:s20+$0x3180]  }
0xd2: {  	v3 =	vadd.s32 $0x1C0, v3;
	v6 =	vld [tilespmem:s0+$0x3180];
	_ =	sdelay $0x1  }
0xd3: {  	p0 =	seq.s32 s23, $0x7  }
0xd4: {  	s0 =	sadd.s32 @!p0 s25, s7;
	[tilespmem:v5+s18+$0x0] =	vst.idx.add.f32.msk $0xffff, v8  }
0xd5: {  	s2 =	simm.s32 @!p0 $0x0;
	s0 =	sshrl.u32 @!p0 s0, $0x3;
	[tilespmem:v4+s18+$0x0] =	vst.idx.add.f32.msk $0xffff, v2  }
0xd6: {  	s3 =	simm.s32 @!p0 $0x3180;
	s25 =	simm.s32 $0x0;
	s0 =	sadd.s32 @!p0 s1, s0;
	[tilespmem:v3+s18+$0x0] =	vst.idx.add.f32.msk $0xffff, v6  }
0xd7: {  	[tilespmem:s3], [sflag:$0x1] =	stream.linear.gather @!p0 [hbm4b:s0+s2], $0x8000, $0x38;
	[tilespmem:$0x13180] =	vst v63  }
0xd8: {  	s15 =	sand.u32 $0x40, s25;
	_ =	swait.ge [sflag:s19], $0x8000  }
0xd9: {  	s16 =	sand.u32 $0xF80, s25;
	s20 =	sor.u32 $0x30, s15;
	[sflag:s19] =	ssyncset.done $0x0  }
0xda: {  	s6 =	sor.u32 $0x10, s15;
	s4 =	sor.u32 s20, s16;
	[sflag:s19] =	ssyncadd.s32 $0xFFFF8000  }
0xdb: {  	s8 =	sor.u32 s6, s16;
	v4 =	vld [tilespmem:s4+$0x0]  }
0xdc: {  	s21 =	sor.u32 $0x20, s15;
	v5 =	vld [tilespmem:s8+$0x0]  }
0xdd: {  	s26 =	sand.u32 $0x7C00, s25;
	s2 =	sor.u32 s21, s16  }
0xde: {  	s9 =	sor.u32 $0x200, s24;
	s29 =	sadd.s32 $0xB180, s26;
	v6 =	vld [tilespmem:s2+$0x0]  }
0xdf: {  	v2 =	vmov s9;
	v7 =	vld [tilespmem:s25+$0x0];
	s8 =	sor.u32 s20, s29  }
0xe0: {  	s6 =	sor.u32 s6, s29;
	v9 =	vld [tilespmem:s8+$0x0];
	v8 =	vadd.s32 v2, v4  }
0xe1: {  	v11 =	vld [tilespmem:s6+$0x0];
	v10 =	vadd.s32 v2, v5  }
0xe2: {  	s30 =	sor.u32 s21, s29  }
0xe3: {  	s2 =	sor.u32 s15, s29;
	v13 =	vld [tilespmem:s30+$0x0];
	v12 =	vadd.s32 v2, v6  }
0xe4: {  	v14 =	vld [tilespmem:s2+$0x0];
	v3 =	vadd.s32 v2, v7  }
0xe5: {  	[tilespmem:v8+s18+$0x0] =	vst.idx.add.f32.msk $0xffff, v9  }
0xe6: {  	[tilespmem:v10+s18+$0x0] =	vst.idx.add.f32.msk $0xffff, v11  }
0xe7: {  	v15 =	vadd.s32 $0x40, v8;
	v9 =	vld [tilespmem:s8+$0x80]  }
0xe8: {  	[tilespmem:v12+s18+$0x0] =	vst.idx.add.f32.msk $0xffff, v13  }
0xe9: {  	[tilespmem:v3+s18+$0x0] =	vst.idx.add.f32.msk $0xffff, v14  }
0xea: {  	v48 =	vld [tilespmem:s6+$0x80]  }
0xeb: {  	v4 =	vand.u32 $0x7F, v4;
	v49 =	vand.u32 $0xFFFFFF80, v8;
	v11 =	vadd.s32 $0x40, v10;
	v50 =	vld [tilespmem:s30+$0x80]  }
0xec: {  	v16 =	vadd.s32 $0x40, v12;
	v4 =	vor.u32 v4, v49;
	[tilespmem:v15+s18+$0x0] =	vst.idx.add.f32.msk $0xffff, v9  }
0xed: {  	v14 =	vadd.s32 $0x80, v4;
	v9 =	vld [tilespmem:s8+$0x100];
	_ =	sdelay $0x1  }
0xee: {  	v17 =	vld [tilespmem:s2+$0x80]  }
0xef: {  	v18 =	vadd.s32 $0x40, v3;
	[tilespmem:v11+s18+$0x0] =	vst.idx.add.f32.msk $0xffff, v48  }
0xf0: {  	[tilespmem:v16+s18+$0x0] =	vst.idx.add.f32.msk $0xffff, v50  }
0xf1: {  	v5 =	vand.u32 $0x7F, v5;
	v6 =	vand.u32 $0x7F, v6;
	v51 =	vand.u32 $0xFFFFFF80, v10;
	[tilespmem:v14+s18+$0x0] =	vst.idx.add.f32.msk $0xffff, v9  }
0xf2: {  	v19 =	vadd.s32 $0xC0, v8;
	v5 =	vor.u32 v5, v51;
	v9 =	vand.u32 $0xFFFFFF80, v12;
	v14 =	vld [tilespmem:s8+$0x180]  }
0xf3: {  	p0 =	por $0x0, $0x0;
	s0 =	simm.s32 $0x1;
	v11 =	vld [tilespmem:s6+$0x100];
	v52 =	vor.u32 v6, v9;
	v6 =	vadd.s32 $0x80, v5  }
0xf4: {  	s0 =	simm.s32 @!p0 $0x0;
	v7 =	vand.u32 $0x7F, v7;
	[tilespmem:v18+s18+$0x0] =	vst.idx.add.f32.msk $0xffff, v17;
	v9 =	vand.u32 $0xFFFFFF80, v3  }
0xf5: {  	s0 =	sshll.u32 s0, $0x6;
	v53 =	vadd.s32 $0x80, v52;
	v54 =	vor.u32 v7, v9;
	v7 =	vld [tilespmem:s30+$0x100]  }
0xf6: {  	s0 =	sadd.s32 $0x0, s0;
	v9 =	vld [tilespmem:s2+$0x100]  }
0xf7: {  	s31 =	sadd.s32 $0x30, s0;
	v55 =	vadd.s32 $0x80, v54;
	[tilespmem:v19+s18+$0x0] =	vst.idx.add.f32.msk $0xffff, v14  }
0xf8: {  	s9 =	sor.u32 $0x200, s31;
	[tilespmem:v6+s18+$0x0] =	vst.idx.add.f32.msk $0xffff, v11  }
0xf9: {  	v14 =	vld [tilespmem:s9+$0xB180]  }
0xfa: {  	v56 =	vadd.s32 $0x100, v4;
	[tilespmem:v53+s18+$0x0] =	vst.idx.add.f32.msk $0xffff, v7  }
0xfb: {  	v7 =	vld [tilespmem:s6+$0x180]  }
0xfc: {  	v6 =	vadd.s32 $0xC0, v10;
	[tilespmem:v55+s18+$0x0] =	vst.idx.add.f32.msk $0xffff, v9  }
0xfd: {  	v57 =	vld [tilespmem:s30+$0x180]  }
0xfe: {  	v59 =	vadd.s32 $0xC0, v3;
	v17 =	vld [tilespmem:s2+$0x180]  }
0xff: {  	s10 =	sor.u32 $0x280, s31;
	[tilespmem:v56+s18+$0x0] =	vst.idx.add.f32.msk $0xffff, v14  }
0x100: {  	s11 =	sadd.s32 $0x10, s0;
	v11 =	vadd.s32 $0x140, v8;
	v9 =	vld [tilespmem:s10+$0xB180]  }
0x101: {  	s12 =	sor.u32 $0x200, s11;
	[tilespmem:v6+s18+$0x0] =	vst.idx.add.f32.msk $0xffff, v7  }
0x102: {  	v58 =	vadd.s32 $0xC0, v12;
	v6 =	vld [tilespmem:s12+$0xB180]  }
0x103: {  	s20 =	sor.u32 $0x200, s0;
	[tilespmem:v59+s18+$0x0] =	vst.idx.add.f32.msk $0xffff, v17  }
0x104: {  	v61 =	vadd.s32 $0x100, v54;
	v60 =	vld [tilespmem:s20+$0xB180]  }
0x105: {  	s13 =	sor.u32 $0x300, s31;
	[tilespmem:v11+s18+$0x0] =	vst.idx.add.f32.msk $0xffff, v9;
	v9 =	vadd.s32 $0x100, v5  }
0x106: {  	s15 =	sadd.s32 $0x20, s0;
	v4 =	vadd.s32 $0x180, v4;
	v7 =	vld [tilespmem:s13+$0xB180]  }
0x107: {  	s16 =	sor.u32 $0x200, s15;
	[tilespmem:v58+s18+$0x0] =	vst.idx.add.f32.msk $0xffff, v57  }
0x108: {  	v14 =	vld [tilespmem:s16+$0xB180]  }
0x109: {  	[tilespmem:v61+s18+$0x0] =	vst.idx.add.f32.msk $0xffff, v60  }
0x10a: {  	v11 =	vadd.s32 $0x100, v52;
	[tilespmem:v9+s18+$0x0] =	vst.idx.add.f32.msk $0xffff, v6  }
0x10b: {  	s21 =	sor.u32 $0x280, s11;
	[tilespmem:v4+s18+$0x0] =	vst.idx.add.f32.msk $0xffff, v7  }
0x10c: {  	s4 =	sor.u32 $0x380, s31;
	v6 =	vadd.s32 $0x1C0, v8;
	v7 =	vadd.s32 $0x140, v10;
	v8 =	vld [tilespmem:s21+$0xB180]  }
0x10d: {  	s26 =	sor.u32 $0x280, s0;
	v4 =	vld [tilespmem:s4+$0xB180]  }
0x10e: {  	v62 =	vld [tilespmem:s26+$0xB180]  }
0x10f: {  	s24 =	sor.u32 $0x280, s15;
	[tilespmem:v11+s18+$0x0] =	vst.idx.add.f32.msk $0xffff, v14  }
0x110: {  	v63 =	vadd.s32 $0x140, v3;
	v11 =	vld [tilespmem:s24+$0xB180]  }
0x111: {  	v9 =	vadd.s32 $0x140, v12;
	[tilespmem:v7+s18+$0x0] =	vst.idx.add.f32.msk $0xffff, v8  }
0x112: {  	s29 =	sor.u32 $0x300, s11;
	[tilespmem:v6+s18+$0x0] =	vst.idx.add.f32.msk $0xffff, v4  }
0x113: {  	v4 =	vadd.s32 $0x180, v5;
	v7 =	vld [tilespmem:s29+$0xB180];
	_ =	sdelay $0x1  }
0x114: {  	[tilespmem:v63+s18+$0x0] =	vst.idx.add.f32.msk $0xffff, v62  }
0x115: {  	s30 =	sor.u32 $0x300, s15;
	[tilespmem:v9+s18+$0x0] =	vst.idx.add.f32.msk $0xffff, v11  }
0x116: {  	v9 =	vld [tilespmem:s30+$0xB180]  }
0x117: {  	s31 =	sor.u32 $0x300, s0;
	[tilespmem:v4+s18+$0x0] =	vst.idx.add.f32.msk $0xffff, v7;
	v7 =	vadd.s32 $0x180, v52  }
0x118: {  	v11 =	vadd.s32 $0x180, v54;
	v6 =	vld [tilespmem:s31+$0xB180]  }
0x119: {  	s28 =	simm.s32 $0x0;
	s3 =	sor.u32 $0x380, s11;
	s20 =	sor.u32 $0x380, s15  }
0x11a: {  	s15 =	sor.u32 $0x380, s0;
	s26 =	simm.s32 $0x40;
	s24 =	simm.s32 $0x0;
	v5 =	vadd.s32 $0x1C0, v10;
	v4 =	vadd.s32 $0x1C0, v12;
	v8 =	vld [tilespmem:s3+$0xB180]  }
.LBB2_9:
0x11b: {  	v13 =	vld [tilespmem:s26+$0x0];
	s25 =	sadd.s32 $0x40, s25  }
0x11c: {  	s24 =	sadd.s32 $0x4, s24;
	s0 =	sand.u32 $0x40, s25;
	[tilespmem:v7+s18+$0x0] =	vst.idx.add.f32.msk $0xffff, v9  }
0x11d: {  	s2 =	sand.u32 $0xF80, s25;
	p1 =	slt.u32 s24, $0xFC;
	s3 =	sor.u32 $0x30, s0;
	[tilespmem:v11+s18+$0x0] =	vst.idx.add.f32.msk $0xffff, v6  }
0x11e: {  	s4 =	sor.u32 $0x10, s0;
	s6 =	sor.u32 $0x20, s0;
	s8 =	sor.u32 s3, s2;
	v7 =	vld [tilespmem:s20+$0xB180]  }
0x11f: {  	s9 =	sor.u32 s4, s2;
	s2 =	sor.u32 s6, s2;
	v14 =	vld [tilespmem:s8+$0x0]  }
0x120: {  	s28 =	sadd.s32 $0x200, s28;
	v10 =	vld [tilespmem:s9+$0x0]  }
0x121: {  	s8 =	sand.u32 $0x7C00, s28;
	v11 =	vld [tilespmem:s2+$0x0]  }
0x122: {  	s2 =	sadd.s32 $0xB180, s8;
	v6 =	vld [tilespmem:s15+$0xB180]  }
0x123: {  	s29 =	sor.u32 s0, s2;
	s0 =	sor.u32 s4, s2;
	s3 =	sor.u32 s3, s2;
	[tilespmem:v5+s18+$0x0] =	vst.idx.add.f32.msk $0xffff, v8  }
0x124: {  	s2 =	sor.u32 s6, s2;
	v9 =	vadd.s32 v2, v14;
	v5 =	vld [tilespmem:s3+$0x0]  }
0x125: {  	v8 =	vadd.s32 v2, v13;
	v15 =	vld [tilespmem:s29+$0x0];
	v16 =	vadd.s32 v2, v10;
	v10 =	vand.u32 $0x7F, v10  }
0x126: {  	v12 =	vld [tilespmem:s0+$0x0];
	v17 =	vadd.s32 $0x40, v16;
	v18 =	vand.u32 $0xFFFFFF80, v16;
	v19 =	vadd.s32 v2, v11  }
0x127: {  	v11 =	vand.u32 $0x7F, v11;
	v20 =	vld [tilespmem:s2+$0x0];
	v21 =	vadd.s32 $0x40, v19;
	v22 =	vand.u32 $0xFFFFFF80, v19  }
0x128: {  	v10 =	vor.u32 v10, v18;
	v18 =	vadd.s32 $0xC0, v16;
	v22 =	vor.u32 v11, v22;
	[tilespmem:v4+s18+$0x0] =	vst.idx.add.f32.msk $0xffff, v7  }
0x129: {  	v25 =	vadd.s32 $0xC0, v19;
	v23 =	vadd.s32 $0x80, v10;
	v24 =	vadd.s32 $0x80, v22;
	[tilespmem:v9+s18+$0x0] =	vst.idx.add.f32.msk $0xffff, v5  }
0x12a: {  	v29 =	vadd.s32 $0x40, v9;
	v26 =	vadd.s32 $0x100, v10;
	v27 =	vadd.s32 $0x100, v22;
	v28 =	vld [tilespmem:s3+$0x80]  }
0x12b: {  	v10 =	vadd.s32 $0x180, v10;
	v11 =	vadd.s32 $0x140, v19;
	[tilespmem:v16+s18+$0x0] =	vst.idx.add.f32.msk $0xffff, v12;
	v12 =	vadd.s32 $0x140, v16  }
0x12c: {  	v4 =	vadd.s32 $0x1C0, v19;
	v5 =	vadd.s32 $0x1C0, v16;
	v7 =	vadd.s32 $0x180, v22;
	[tilespmem:v19+s18+$0x0] =	vst.idx.add.f32.msk $0xffff, v20  }
0x12d: {  	[tilespmem:v8+s18+$0x0] =	vst.idx.add.f32.msk $0xffff, v15  }
0x12e: {  	v14 =	vand.u32 $0x7F, v14;
	v16 =	vand.u32 $0xFFFFFF80, v9;
	v15 =	vld [tilespmem:s0+$0x80]  }
0x12f: {  	v14 =	vor.u32 v14, v16;
	[tilespmem:v29+s18+$0x0] =	vst.idx.add.f32.msk $0xffff, v28  }
0x130: {  	v19 =	vadd.s32 $0x80, v14;
	v16 =	vld [tilespmem:s3+$0x100]  }
0x131: {  	v20 =	vld [tilespmem:s2+$0x80]  }
0x132: {  	v22 =	vld [tilespmem:s29+$0x80]  }
0x133: {  	v28 =	vadd.s32 $0x40, v8;
	[tilespmem:v17+s18+$0x0] =	vst.idx.add.f32.msk $0xffff, v15  }
0x134: {  	v15 =	vld [tilespmem:s0+$0x100]  }
0x135: {  	[tilespmem:v19+s18+$0x0] =	vst.idx.add.f32.msk $0xffff, v16  }
0x136: {  	p0 =	por !p0, !p0;
	v17 =	vadd.s32 $0xC0, v9;
	v16 =	vld [tilespmem:s3+$0x180];
	s3 =	simm.s32 $0x1  }
0x137: {  	s3 =	simm.s32 @!p0 $0x0;
	[tilespmem:v21+s18+$0x0] =	vst.idx.add.f32.msk $0xffff, v20  }
0x138: {  	v13 =	vand.u32 $0x7F, v13;
	v19 =	vand.u32 $0xFFFFFF80, v8;
	s3 =	sshll.u32 s3, $0x6;
	[tilespmem:v28+s18+$0x0] =	vst.idx.add.f32.msk $0xffff, v22  }
0x139: {  	v13 =	vor.u32 v13, v19;
	s10 =	sadd.s32 s3, s28;
	v19 =	vld [tilespmem:s2+$0x100]  }
0x13a: {  	v21 =	vadd.s32 $0x80, v13;
	v20 =	vld [tilespmem:s29+$0x100];
	s3 =	sadd.s32 $0x10, s10;
	s13 =	sadd.s32 $0x20, s10;
	s16 =	sadd.s32 $0x30, s10  }
0x13b: {  	s21 =	sor.u32 $0x200, s3;
	s30 =	sor.u32 $0x200, s13;
	[tilespmem:v17+s18+$0x0] =	vst.idx.add.f32.msk $0xffff, v16;
	s4 =	sor.u32 $0x200, s16  }
0x13c: {  	s31 =	sor.u32 $0x200, s10;
	s9 =	sor.u32 $0x280, s3;
	s6 =	sor.u32 $0x280, s13;
	v17 =	vadd.s32 $0x100, v14;
	v16 =	vld [tilespmem:s4+$0xB180]  }
0x13d: {  	s8 =	sor.u32 $0x280, s10;
	s12 =	sor.u32 $0x300, s13;
	s4 =	sor.u32 $0x300, s3;
	[tilespmem:v23+s18+$0x0] =	vst.idx.add.f32.msk $0xffff, v15  }
0x13e: {  	s11 =	sor.u32 $0x300, s10;
	s20 =	sor.u32 $0x380, s13;
	s3 =	sor.u32 $0x380, s3;
	[tilespmem:v24+s18+$0x0] =	vst.idx.add.f32.msk $0xffff, v19  }
0x13f: {  	s15 =	sor.u32 $0x380, s10;
	[tilespmem:v21+s18+$0x0] =	vst.idx.add.f32.msk $0xffff, v20  }
0x140: {  	v15 =	vld [tilespmem:s0+$0x180]  }
0x141: {  	s0 =	sor.u32 $0x280, s16;
	[tilespmem:v17+s18+$0x0] =	vst.idx.add.f32.msk $0xffff, v16  }
0x142: {  	v17 =	vadd.s32 $0x140, v9;
	v16 =	vld [tilespmem:s0+$0xB180]  }
0x143: {  	v19 =	vld [tilespmem:s2+$0x180]  }
0x144: {  	v20 =	vld [tilespmem:s29+$0x180]  }
0x145: {  	v21 =	vadd.s32 $0xC0, v8;
	[tilespmem:v18+s18+$0x0] =	vst.idx.add.f32.msk $0xffff, v15  }
0x146: {  	v15 =	vld [tilespmem:s21+$0xB180]  }
0x147: {  	s0 =	sor.u32 $0x300, s16;
	[tilespmem:v17+s18+$0x0] =	vst.idx.add.f32.msk $0xffff, v16  }
0x148: {  	v14 =	vadd.s32 $0x180, v14;
	v16 =	vld [tilespmem:s0+$0xB180]  }
0x149: {  	[tilespmem:v25+s18+$0x0] =	vst.idx.add.f32.msk $0xffff, v19  }
0x14a: {  	[tilespmem:v21+s18+$0x0] =	vst.idx.add.f32.msk $0xffff, v20  }
0x14b: {  	v17 =	vld [tilespmem:s30+$0xB180]  }
0x14c: {  	v19 =	vadd.s32 $0x100, v13;
	v18 =	vld [tilespmem:s31+$0xB180]  }
0x14d: {  	s0 =	sor.u32 $0x380, s16;
	[tilespmem:v14+s18+$0x0] =	vst.idx.add.f32.msk $0xffff, v16  }
0x14e: {  	v9 =	vadd.s32 $0x1C0, v9;
	v14 =	vld [tilespmem:s0+$0xB180]  }
0x14f: {  	[tilespmem:v26+s18+$0x0] =	vst.idx.add.f32.msk $0xffff, v15  }
0x150: {  	[tilespmem:v27+s18+$0x0] =	vst.idx.add.f32.msk $0xffff, v17  }
0x151: {  	v15 =	vadd.s32 $0x1C0, v3;
	v3 =	vmov v8;
	[tilespmem:v19+s18+$0x0] =	vst.idx.add.f32.msk $0xffff, v18  }
0x152: {  	v8 =	vld [tilespmem:s9+$0xB180]  }
0x153: {  	[tilespmem:v9+s18+$0x0] =	vst.idx.add.f32.msk $0xffff, v14  }
0x154: {  	v9 =	vld [tilespmem:s6+$0xB180]  }
0x155: {  	v16 =	vadd.s32 $0x140, v3;
	v14 =	vld [tilespmem:s8+$0xB180]  }
0x156: {  	[tilespmem:v15+s18+$0x0] =	vst.idx.add.f32.msk $0xffff, v6  }
0x157: {  	[tilespmem:v12+s18+$0x0] =	vst.idx.add.f32.msk $0xffff, v8  }
0x158: {  	v8 =	vld [tilespmem:s4+$0xB180]  }
0x159: {  	[tilespmem:v11+s18+$0x0] =	vst.idx.add.f32.msk $0xffff, v9  }
.Ltmp3:
0x15a: {  	[tilespmem:v16+s18+$0x0] =	vst.idx.add.f32.msk $0xffff, v14;
	(pc) =	sbr.rel @p1 .LBB2_9-.Ltmp3, $4  }
0x15b: {  	v9 =	vld [tilespmem:s12+$0xB180]  }
0x15c: {  	v11 =	vadd.s32 $0x180, v13;
	v6 =	vld [tilespmem:s11+$0xB180]  }
0x15d: {  	[tilespmem:v10+s18+$0x0] =	vst.idx.add.f32.msk $0xffff, v8  }
0x15e: {  	s26 =	sadd.s32 $0x40, s26;
	v8 =	vld [tilespmem:s3+$0xB180]  }
0x15f: {  	_ =	sdelay $0x3  }
0x160: {  	[tilespmem:v7+s18+$0x0] =	vst.idx.add.f32.msk $0xffff, v9  }
0x161: {  	[tilespmem:v11+s18+$0x0] =	vst.idx.add.f32.msk $0xffff, v6  }
0x162: {  	s23 =	sadd.s32 $0x1, s23;
	v2 =	vld [tilespmem:s20+$0xB180]  }
0x163: {  	v3 =	vadd.s32 $0x1C0, v3;
	p0 =	sne.s32 s23, $0x8;
	v6 =	vld [tilespmem:s15+$0xB180]  }
.Ltmp4:
0x164: {  	_ = 	snop;
	(pc) =	sbr.rel @p0 .LBB2_6-.Ltmp4, $4  }
0x165: {  	_ = 	snop  }
0x166: {  	[tilespmem:v5+s18+$0x0] =	vst.idx.add.f32.msk $0xffff, v8  }
0x167: {  	[tilespmem:v4+s18+$0x0] =	vst.idx.add.f32.msk $0xffff, v2  }
0x168: {  	[tilespmem:v3+s18+$0x0] =	vst.idx.add.f32.msk $0xffff, v6  }
0x169: {  	v2 =	vld [tilespmem:$0x3000];
	_ =	sdelay $0x2  }
0x16a: {  	v3 =	vld [tilespmem:$0x3010]  }
0x16b: {  	v4 =	vld [tilespmem:$0x3020]  }
0x16c: {  	v5 =	vmax.f32 v2, $1.000000000e+00  }
0x16d: {  	(erf) = vrcp.f32 v5  }
0x16e: {  	v5 =	vld [tilespmem:$0x3030]  }
0x16f: {  	v6 =	vmax.f32 v3, $1.000000000e+00  }
0x170: {  	(erf) = vrcp.f32 v6;
	v6 =	vmax.f32 v4, $1.000000000e+00  }
0x171: {  	(erf) = vrcp.f32 v6;
	_ =	sdelay $0x1  }
0x172: {  	v6 =	vmax.f32 v5, $1.000000000e+00;
	_ =	sdelay $0x1  }
0x173: {  	(erf) = vrcp.f32 v6  }
0x174: {  	vm0 =	vge.f32 v2, $1.600000000e+01;
	v2 =	vtrunc.f32 v2;
	v6 =	vpop (erf)  }
0x175: {  	v2 =	vcvt.f32.s32 v2;
	v6 =	vnsel vm0, $0x0, v6  }
0x176: {  	vm13 =	vge.f32 v3, $1.600000000e+01;
	v3 =	vtrunc.f32 v3  }
0x177: {  	v3 =	vcvt.f32.s32 v3;
	[tilespmem:$0x3080] =	vst v2;
	v7 =	vpop (erf)  }
0x178: {  	vm14 =	vge.f32 v4, $1.600000000e+01;
	[tilespmem:$0x3100] =	vst v6;
	v6 =	vpop (erf)  }
0x179: {  	[tilespmem:$0x3090] =	vst v3;
	v2 =	vnsel vm13, $0x0, v7;
	v3 =	vnsel vm14, $0x0, v6  }
0x17a: {  	[tilespmem:$0x3110] =	vst v2;
	v2 =	vtrunc.f32 v4  }
0x17b: {  	v2 =	vcvt.f32.s32 v2  }
0x17c: {  	vm15 =	vge.f32 v5, $1.600000000e+01;
	v4 =	vtrunc.f32 v5;
	[tilespmem:$0x3120] =	vst v3;
	v3 =	vpop (erf)  }
0x17d: {  	[tilespmem:$0x30A0] =	vst v2;
	v2 =	vnsel vm15, $0x0, v3;
	v3 =	vcvt.f32.s32 v4  }
0x17e: {  	[tilespmem:$0x3130] =	vst v2  }
0x17f: {  	s0 =	simm.s32 $0x1040;
	v2 =	vld [tilespmem:$0x3100];
	[tilespmem:$0x30B0] =	vst v3  }
0x180: {  	v3 =	vld [tilespmem:s0+$0x0];
	_ =	sdelay $0x2  }
0x181: {  	v4 =	vld [tilespmem:s0+$0xFFFFFFC0];
	_ =	sdelay $0x1  }
0x182: {  	v3 =	vmul.f32 v3, v2  }
0x183: {  	v8 =	vld [tilespmem:$0x3100]  }
0x184: {  	[tilespmem:s0+$0x0] =	vst v3;
	v3 =	vld [tilespmem:s0+$0x10]  }
0x185: {  	v2 =	vmul.f32 v4, v2;
	v4 =	vld [tilespmem:$0x3110]  }
0x186: {  	s2 =	simm.s32 $0x10C0;
	v5 =	vld [tilespmem:s0+$0xFFFFFFD0]  }
0x187: {  	v10 =	vld [tilespmem:s2+$0x0];
	[tilespmem:s0+$0xFFFFFFC0] =	vst v2  }
0x188: {  	v7 =	vld [tilespmem:$0x3110];
	_ =	sdelay $0x1  }
0x189: {  	v6 =	vld [tilespmem:s0+$0xFFFFFFE0];
	v3 =	vmul.f32 v3, v4  }
0x18a: {  	v9 =	vld [tilespmem:s0+$0x20]  }
0x18b: {  	v10 =	vmul.f32 v10, v8;
	v2 =	vld [tilespmem:s0+$0xFFFFFFF0];
	[tilespmem:s0+$0x10] =	vst v3  }
0x18c: {  	v3 =	vmul.f32 v5, v7;
	v5 =	vld [tilespmem:$0x3120]  }
0x18d: {  	[tilespmem:s2+$0x0] =	vst v10;
	v7 =	vld [tilespmem:s2+$0xFFFFFFC0]  }
0x18e: {  	v10 =	vld [tilespmem:$0x3110];
	[tilespmem:s0+$0xFFFFFFD0] =	vst v3  }
0x18f: {  	v11 =	vld [tilespmem:$0x3120]  }
0x190: {  	v4 =	vld [tilespmem:s2+$0xFFFFFFD0]  }
0x191: {  	v3 =	vld [tilespmem:s2+$0xFFFFFFE0];
	v12 =	vmul.f32 v9, v5  }
0x192: {  	v7 =	vmul.f32 v7, v8;
	v5 =	vld [tilespmem:s0+$0x30]  }
0x193: {  	v9 =	vld [tilespmem:s2+$0x10];
	[tilespmem:s0+$0x20] =	vst v12  }
0x194: {  	[tilespmem:s2+$0xFFFFFFC0] =	vst v7;
	v7 =	vmul.f32 v6, v11;
	v8 =	vld [tilespmem:$0x3130]  }
0x195: {  	v11 =	vld [tilespmem:$0x3110]  }
0x196: {  	v6 =	vld [tilespmem:s2+$0xFFFFFFF0];
	[tilespmem:s0+$0xFFFFFFE0] =	vst v7  }
0x197: {  	s3 =	simm.s32 $0x2;
	s4 =	simm.s32 $0x10C0;
	v7 =	vld [tilespmem:$0x3130]  }
.LBB2_12:
0x198: {  	v12 =	vld [tilespmem:$0x3100];
	v9 =	vmul.f32 v9, v10  }
0x199: {  	s4 =	sadd.s32 $0x80, s4;
	v10 =	vld [tilespmem:s2+$0x20];
	v5 =	vmul.f32 v5, v8  }
0x19a: {  	s3 =	sadd.s32 $0x2, s3;
	v8 =	vld [tilespmem:s4+$0x0];
	v4 =	vmul.f32 v4, v11;
	[tilespmem:s2+$0x10] =	vst v9  }
0x19b: {  	p0 =	slt.u32 s3, $0x7E;
	v9 =	vld [tilespmem:$0x3120];
	[tilespmem:s0+$0x30] =	vst v5  }
0x19c: {  	v11 =	vld [tilespmem:s4+$0xFFFFFFC0];
	[tilespmem:s2+$0xFFFFFFD0] =	vst v4;
	v5 =	vmul.f32 v2, v7;
	v2 =	vmov v6  }
0x19d: {  	v4 =	vld [tilespmem:s4+$0xFFFFFFD0]  }
0x19e: {  	v6 =	vld [tilespmem:$0x3120];
	[tilespmem:s0+$0xFFFFFFF0] =	vst v5;
	s0 =	smov.u32 s2;
	s2 =	smov.u32 s4  }
0x19f: {  	v7 =	vld [tilespmem:s4+$0xFFFFFFE0];
	v8 =	vmul.f32 v8, v12  }
0x1a0: {  	v13 =	vmul.f32 v10, v9;
	v5 =	vld [tilespmem:s0+$0x30]  }
0x1a1: {  	v11 =	vmul.f32 v11, v12;
	[tilespmem:s4+$0x0] =	vst v8;
	v9 =	vld [tilespmem:s4+$0x10]  }
.Ltmp5:
0x1a2: {  	v10 =	vld [tilespmem:$0x3110];
	[tilespmem:s0+$0x20] =	vst v13;
	(pc) =	sbr.rel @p0 .LBB2_12-.Ltmp5, $4  }
0x1a3: {  	[tilespmem:s4+$0xFFFFFFC0] =	vst v11;
	v12 =	vmul.f32 v3, v6;
	v8 =	vld [tilespmem:$0x3130]  }
0x1a4: {  	v11 =	vld [tilespmem:$0x3110];
	v3 =	vmov v7  }
0x1a5: {  	v6 =	vld [tilespmem:s4+$0xFFFFFFF0];
	[tilespmem:s0+$0xFFFFFFE0] =	vst v12  }
0x1a6: {  	v7 =	vld [tilespmem:$0x3130]  }
0x1a7: {  	_ = 	snop  }
0x1a8: {  	v9 =	vmul.f32 v9, v10  }
0x1a9: {  	v4 =	vmul.f32 v4, v11  }
0x1aa: {  	v61 =	vld [tilespmem:s2+$0x20];
	[tilespmem:s2+$0x10] =	vst v9  }
0x1ab: {  	v9 =	vld [tilespmem:$0x3120];
	[tilespmem:s2+$0xFFFFFFD0] =	vst v4  }
0x1ac: {  	v4 =	vld [tilespmem:$0x3120];
	_ =	sdelay $0x3  }
0x1ad: {  	v9 =	vmul.f32 v61, v9  }
0x1ae: {  	v3 =	vmul.f32 v3, v4  }
0x1af: {  	v62 =	vld [tilespmem:s2+$0x30];
	[tilespmem:s2+$0x20] =	vst v9  }
0x1b0: {  	v63 =	vld [tilespmem:$0x3130];
	[tilespmem:s2+$0xFFFFFFE0] =	vst v3  }
0x1b1: {  	v3 =	vld [tilespmem:$0x3130];
	_ =	sdelay $0x1  }
0x1b2: {  	v5 =	vmul.f32 v5, v8  }
0x1b3: {  	v2 =	vmul.f32 v2, v7  }
0x1b4: {  	[tilespmem:s0+$0x30] =	vst v5;
	v4 =	vmul.f32 v62, v63  }
0x1b5: {  	[tilespmem:s0+$0xFFFFFFF0] =	vst v2;
	v2 =	vmul.f32 v6, v3  }
0x1b6: {  	[tilespmem:s2+$0x30] =	vst v4  }
0x1b7: {  	s3 =	simm.s32 $0x400;
	[tilespmem:s2+$0xFFFFFFF0] =	vst v2  }
0x1b8: {  	s4 =	simm.s32 $0x3;
	s2 =	simm.s32 $0x80;
	s0 =	rddreg [dreg:$0x7]  }
0x1b9: {  	[hbm4b:s0+s2] =	stream.strided.scatter [tilespmem:s18], [sflag:$0x3], $0x2000, s3, s2, $0x38;
	[tilespmem:$0x13180] =	vst v63  }
0x1ba: {  	_ =	swait.ge [sflag:s4], $0x2000  }
0x1bb: {  	s10 =	simm.s32 $0x0;
	[sflag:s4] =	ssyncset.done $0x0  }
0x1bc: {  	s6 =	simm.s32 $0x3080;
	s29 =	rddreg [dreg:$0x8];
	[sflag:s4] =	ssyncadd.s32 $0xFFFFE000  }
0x1bd: {  	[hbm4b:s29+s10] =	stream.linear.scatter [tilespmem:s6], [sflag:$0x3], $0x80, $0x38;
	[tilespmem:$0x13180] =	vst v63  }
0x1be: {  	_ =	swait.ge [sflag:s4], $0x80  }
0x1bf: {  	s30 =	rddreg [dreg:$0xa]  }
0x1c0: {  	s31 =	rddreg [dreg:$0x9];
	s6 =	sadd.s32 $0x1, s30  }
0x1c1: {  	p0 =	sne.s32 s6, s31  }
.Ltmp6:
0x1c2: {  	_ = 	snop;
	(pc) =	sbr.rel @p0 .LBB2_1-.Ltmp6, $3  }
0x1c3: {  	_ =	sdelay $0x1  }
0x1c4: {  	[sflag:s4] =	ssyncset.done $0x0  }
0x1c5: {  	[sflag:s4] =	ssyncadd.s32 $0xFFFFFF80  }
0x1c6: {  	_ =	sfence.sel $0x180000  }
0x1c7: {  	[bflag:$0x0] =	sbarrier.arrive $0xFFFF  }
0x1c8: {  	_ =	strace $0x90000047  }
0x1c9: {  	s0 =	stileid.u32;
	[bflag:$0x2] =	sbarrier.arrive $0xFFFF  }
0x1ca: {  	p0 =	sne.s32 s0, $0x0;
	s0 =	rddreg [dreg:$0x4]  }
0x1cb: {  	s0 =	sadd.s32 @!p0 $0x100000, s0  }
0x1cc: {  	[sflag:s0] =	ssyncadd.tile.s32 @!p0 $0x1;
	_ =	shalt  }
.Lfunc_end2:
_tile_overlayer_lowered:
.L_overlay_start_2:
0x1cd: {  	(tag) =	ssettag $0x2  }
0x1ce: {  	s0 =	rddreg [dreg:$0x0];
	s2 =	stileid.u32  }
0x1cf: {  	s1 =	rddreg [dreg:$0x1];
	p0 =	sne.s32 s2, $0x0  }
0x1d0: {  	s3 =	rddreg [dreg:$0x2];
	[bflag:$0x3] =	sbarrier.arrive $0xFFFF;
	s2 =	simm.s32 @!p0 $0x1C03  }
0x1d1: {  	[timem:s3], [sflag:s2] =	dma.local @!p0 [hbm:s0], s1  }
0x1d2: {  	s0 =	simm.s32 @!p0 $0x3  }
0x1d3: {  	_ =	swait.ge @!p0 [sflag:s0], s1  }
0x1d4: {  	s1 =	ssub.s32 @!p0 $0x0, s1;
	[sflag:s0] =	ssyncset.done @!p0 $0x0  }
0x1d5: {  	[sflag:s0] =	ssyncadd.s32 @!p0 s1  }
0x1d6: {  	[bflag:$0x3] =	sbarrier.arrive $0xFFFF  }
0x1d7: {  	_ =	shalt  }

</sc_bundles>
